<compile_context>
chip_gen: v7x
topology: tpu7x:2x2x1
jax: 0.10.2.dev20260603
libtpu: 0.0.44.dev20260713+nightly
codegen_flags: <defaults>
</compile_context>

<pallas_src>
import functools

import jax
import jax.numpy as jnp
from jax import lax
from jax.experimental import pallas as pl
from jax.experimental.pallas import tpu as pltpu
from jax.experimental.pallas import tpu_sc as plsc

B = 16384
D = 128
_info = plsc.get_sparse_core_info()
NC, NS, L = _info.num_cores, _info.num_subcores, _info.num_lanes
NW = NC * NS
PW = B // NW
NCH = PW // L
CH = 16
CAP = PW + 4 * CH

assert B % (8 * NW) == 0 and PW % L == 0

_mesh = plsc.VectorSubcoreMesh(core_axis_name="c", subcore_axis_name="s")


@functools.partial(
    pl.kernel,
    out_type=jax.ShapeDtypeStruct((B,), jnp.float32),
    mesh=_mesh,
    scratch_types=[
        pltpu.VMEM((PW,), jnp.int32),
        pltpu.VMEM((PW,), jnp.int32),
        pltpu.VMEM((PW,), jnp.int32),
        pltpu.VMEM((PW,), jnp.int32),
        pltpu.VMEM((CAP,), jnp.int32),
        pltpu.VMEM((CAP,), jnp.int32),
        pltpu.VMEM((CAP,), jnp.int32),
        pltpu.VMEM((CAP,), jnp.int32),
        *[pltpu.VMEM((CH, D), jnp.float32) for _ in range(6)],
        pltpu.VMEM((L, L), jnp.float32),
        pltpu.VMEM((PW,), jnp.float32),
        *[pltpu.SemaphoreType.DMA for _ in range(6)],
    ],
    compiler_params=pltpu.CompilerParams(needs_layout_passes=False),
)
def _mergl_sc(i_h, j_h, k_h, lab_h,
              ue0, ie0, te0, ue1, ie1, te1, ue2, ie2, te2, ue3, ie3, te3,
              out_h,
              iv, jv, kv, lv, ci, cj, ck, cpos,
              ub0, vb0, tb0, ub1, vb1, tb1, pb, ob,
              s0, s1, s2, s3, s4, s5):
    bufs = ((ub0, vb0, tb0, s0, s1, s2), (ub1, vb1, tb1, s3, s4, s5))
    tables = ((ue0, ie0, te0), (ue1, ie1, te1),
              (ue2, ie2, te2), (ue3, ie3, te3))
    wid = lax.axis_index("s") * NC + lax.axis_index("c")
    base = wid * PW
    lane = lax.iota(jnp.int32, L)
    ones = jnp.ones((L,), jnp.int32)
    zeros = jnp.zeros((L,), jnp.int32)
    zero = jnp.int32(0)
    zf = jnp.zeros((L,), jnp.float32)

    pltpu.sync_copy(i_h.at[pl.ds(base, PW)], iv)
    pltpu.sync_copy(j_h.at[pl.ds(base, PW)], jv)
    pltpu.sync_copy(k_h.at[pl.ds(base, PW)], kv)
    pltpu.sync_copy(lab_h.at[pl.ds(base, PW)], lv)

    def cnt_body(c, cnts):
        l16 = lv[pl.ds(c * L, L)]
        new = []
        for lbl in range(4):
            mi = jnp.where(l16 == lbl, ones, zeros)
            new.append(cnts[lbl] + jnp.sum(mi))
        return tuple(new)

    n0, n1, n2, n3 = lax.fori_loop(0, NCH, cnt_body, (zero,) * 4)

    def ceil16(x):
        return (x + (L - 1)) // L * L

    b1 = ceil16(n0)
    b2 = b1 + ceil16(n1)
    b3 = b2 + ceil16(n2)
    total = b3 + ceil16(n3)
    bases = (zero, b1, b2, b3)
    rends = (n0, b1 + n1, b2 + n2, b3 + n3)
    uppers = (b1, b2, b3, jnp.int32(CAP))

    def comp_body(c, cnts):
        off = c * L
        l16 = lv[pl.ds(off, L)]
        i16 = iv[pl.ds(off, L)]
        j16 = jv[pl.ds(off, L)]
        k16 = kv[pl.ds(off, L)]
        p16 = off + lane
        new = []
        for lbl in range(4):
            m = l16 == lbl
            mi = jnp.where(m, ones, zeros)
            dest = bases[lbl] + cnts[lbl] + plsc.cumsum(mi) - mi
            plsc.store_scatter(ci, [dest], i16, mask=m)
            plsc.store_scatter(cj, [dest], j16, mask=m)
            plsc.store_scatter(ck, [dest], k16, mask=m)
            plsc.store_scatter(cpos, [dest], p16, mask=m)
            new.append(cnts[lbl] + jnp.sum(mi))
        return tuple(new)

    lax.fori_loop(0, NCH, comp_body, (zero,) * 4)

    for lbl in range(4):
        pad = rends[lbl] + lane
        pm = pad < uppers[lbl]
        plsc.store_scatter(ci, [pad], zeros, mask=pm)
        plsc.store_scatter(cj, [pad], zeros, mask=pm)
        plsc.store_scatter(ck, [pad], zeros, mask=pm)

    def slot_lbl(off):
        return (jnp.where(off >= b1, 1, 0) + jnp.where(off >= b2, 1, 0)
                + jnp.where(off >= b3, 1, 0))

    def slot_rend(off):
        lbs = slot_lbl(off)
        r = jnp.where(lbs == 0, rends[0],
                      jnp.where(lbs == 1, rends[1],
                                jnp.where(lbs == 2, rends[2], rends[3])))
        return r

    def copies(s, off, tab):
        off = pl.multiple_of(off, CH)
        b = bufs[s]
        return (
            pltpu.make_async_copy(tab[0].at[ci.at[pl.ds(off, CH)]], b[0], b[3]),
            pltpu.make_async_copy(tab[1].at[cj.at[pl.ds(off, CH)]], b[1], b[4]),
            pltpu.make_async_copy(tab[2].at[ck.at[pl.ds(off, CH)]], b[2], b[5]),
        )

    def issue(s, off):
        lbs = slot_lbl(off)
        for l in range(4):
            @pl.when(lbs == l)
            def _(l=l):
                for c in copies(s, off, tables[l]):
                    c.start()

    def wait(s, off):
        for c in copies(s, off, tables[0]):
            c.wait()

    def compute(s, off):
        off = pl.multiple_of(off, CH)
        ub, vb, tb = bufs[s][0], bufs[s][1], bufs[s][2]
        def elem_body(e):
            a = (ub[e, pl.ds(0, L)] * vb[e, pl.ds(0, L)] * tb[e, pl.ds(0, L)])
            for q in range(1, D // L):
                a = a + (ub[e, pl.ds(q * L, L)] * vb[e, pl.ds(q * L, L)]
                         * tb[e, pl.ds(q * L, L)])
            pb[e, pl.ds(0, L)] = a

        plsc.parallel_loop(0, L, unroll=4)(elem_body)
        def hsum_body(c, carry):
            r0, r1, col = carry
            g0 = plsc.load_gather(pb, [lane, col])
            g1 = plsc.load_gather(pb, [lane, col + ones])
            return (r0 + g0, r1 + g1, col + ones + ones)

        r0, r1, _ = plsc.parallel_loop(
            0, L // 2, unroll=4, carry=(zf, zf, zeros))(hsum_body)
        res = r0 + r1
        rem = slot_rend(off) - off
        ok = lane < rem
        p16 = cpos[pl.ds(off, L)]
        plsc.store_scatter(ob, [p16], res, mask=ok)

    issue(0, zero)

    def pair_body(off):
        off = pl.multiple_of(off, CH)
        nxt = off + CH
        nxt2 = off + 2 * CH

        @pl.when(nxt < total)
        def _():
            issue(1, nxt)

        wait(0, off)
        compute(0, off)

        @pl.when(nxt2 < total)
        def _():
            issue(0, nxt2)

        @pl.when(nxt < total)
        def _():
            wait(1, nxt)
            compute(1, nxt)

        return nxt2

    lax.while_loop(lambda off: off < total, pair_body, zero)

    pltpu.sync_copy(ob, out_h.at[pl.ds(base, PW)])


def kernel(i, j, k, labels,
           ue0, ie0, te0, ue1, ie1, te1, ue2, ie2, te2, ue3, ie3, te3):
    i = i.astype(jnp.int32)
    j = j.astype(jnp.int32)
    k = k.astype(jnp.int32)
    labels = labels.astype(jnp.int32)
    return _mergl_sc(i, j, k, labels,
                     ue0, ie0, te0, ue1, ie1, te1,
                     ue2, ie2, te2, ue3, ie3, te3)

# --- scband reference (transcript-rebuilt; emitter-appended) ---
"""Pipeline reference for scband-merg-l-24970939859198 (READ-ONLY COPY).

The authoritative reference and input builder live on the scoring server;
editing this copy changes nothing except your own understanding.
"""

import jax, jax.numpy as jnp
import numpy as np

NUM_USER, NUM_ITEM, NUM_TIME = 100000, 100000, 1000
LATENT = 128
BATCH = 16384

def _xavier(key, shape):
    fan_in, fan_out = shape[0], shape[1]
    limit = float(np.sqrt(6.0 / (fan_in + fan_out)))
    return jax.random.uniform(key, shape, dtype=jnp.float32, minval=-limit, maxval=limit)

def setup_inputs(seed: int = 0) -> dict:
    key = jax.random.key(seed)
    ks = jax.random.split(key, 16)
    inp = {}
    inp['i'] = jax.random.randint(ks[0], (BATCH,), 0, NUM_USER, dtype=jnp.int64) if jax.config.jax_enable_x64 else jax.random.randint(ks[0], (BATCH,), 0, NUM_USER, dtype=jnp.int32)
    inp['j'] = jax.random.randint(ks[1], (BATCH,), 0, NUM_ITEM, dtype=inp['i'].dtype)
    inp['k'] = jax.random.randint(ks[2], (BATCH,), 0, NUM_TIME, dtype=inp['i'].dtype)
    inp['labels'] = jax.random.randint(ks[3], (BATCH,), 0, 4, dtype=inp['i'].dtype)
    idx = 4
    for l in range(4):
        inp[f'ue{l}'] = _xavier(ks[idx], (NUM_USER, LATENT)); idx += 1
        inp[f'ie{l}'] = _xavier(ks[idx], (NUM_ITEM, LATENT)); idx += 1
        inp[f'te{l}'] = _xavier(ks[idx], (NUM_TIME, LATENT)); idx += 1
    return inp

def _cp(ue, ie, te, i, j, k):
    i_emb = jnp.take(ue, i, axis=0)
    j_emb = jnp.take(ie, j, axis=0)
    k_emb = jnp.take(te, k, axis=0)
    return jnp.einsum('nd,nd,nd->n', i_emb, j_emb, k_emb)

def reference(i, j, k, labels, ue0, ie0, te0, ue1, ie1, te1, ue2, ie2, te2, ue3, ie3, te3):
    preds = jnp.zeros(i.shape[0], dtype=jnp.float32)
    tables = [(ue0, ie0, te0), (ue1, ie1, te1), (ue2, ie2, te2), (ue3, ie3, te3)]
    for label in range(4):
        mask = labels == label
        out_l = _cp(tables[label][0], tables[label][1], tables[label][2], i, j, k)
        preds = jnp.where(mask, out_l, preds)
    return preds

if __name__ == "__main__":
    import jax
    _d = setup_inputs()
    print(jax.jit(kernel)(*tuple(_d.values())))

</pallas_src>

<mosaic_0001>
#map = affine_map<(d0, d1) -> (0)>
#map1 = affine_map<(d0, d1) -> (0, 0)>
module attributes {stable_mosaic.version = 14 : i64} {
  func.func @_mergl_sc(%arg0: i32, %arg1: i32, %arg2: memref<16384xi32, #tpu.memory_space<hbm>>, %arg3: memref<16384xi32, #tpu.memory_space<hbm>>, %arg4: memref<16384xi32, #tpu.memory_space<hbm>>, %arg5: memref<16384xi32, #tpu.memory_space<hbm>>, %arg6: memref<100000x128xf32, #tpu.memory_space<hbm>>, %arg7: memref<100000x128xf32, #tpu.memory_space<hbm>>, %arg8: memref<1000x128xf32, #tpu.memory_space<hbm>>, %arg9: memref<100000x128xf32, #tpu.memory_space<hbm>>, %arg10: memref<100000x128xf32, #tpu.memory_space<hbm>>, %arg11: memref<1000x128xf32, #tpu.memory_space<hbm>>, %arg12: memref<100000x128xf32, #tpu.memory_space<hbm>>, %arg13: memref<100000x128xf32, #tpu.memory_space<hbm>>, %arg14: memref<1000x128xf32, #tpu.memory_space<hbm>>, %arg15: memref<100000x128xf32, #tpu.memory_space<hbm>>, %arg16: memref<100000x128xf32, #tpu.memory_space<hbm>>, %arg17: memref<1000x128xf32, #tpu.memory_space<hbm>>, %arg18: memref<16384xf32, #tpu.memory_space<hbm>>, %arg19: memref<512xi32, #tpu.memory_space<vmem>>, %arg20: memref<512xi32, #tpu.memory_space<vmem>>, %arg21: memref<512xi32, #tpu.memory_space<vmem>>, %arg22: memref<512xi32, #tpu.memory_space<vmem>>, %arg23: memref<576xi32, #tpu.memory_space<vmem>>, %arg24: memref<576xi32, #tpu.memory_space<vmem>>, %arg25: memref<576xi32, #tpu.memory_space<vmem>>, %arg26: memref<576xi32, #tpu.memory_space<vmem>>, %arg27: memref<16x128xf32, #tpu.memory_space<vmem>>, %arg28: memref<16x128xf32, #tpu.memory_space<vmem>>, %arg29: memref<16x128xf32, #tpu.memory_space<vmem>>, %arg30: memref<16x128xf32, #tpu.memory_space<vmem>>, %arg31: memref<16x128xf32, #tpu.memory_space<vmem>>, %arg32: memref<16x128xf32, #tpu.memory_space<vmem>>, %arg33: memref<16x16xf32, #tpu.memory_space<vmem>>, %arg34: memref<512xf32, #tpu.memory_space<vmem>>, %arg35: memref<!tpu.dma_semaphore, #tpu.memory_space<semaphore_mem>>, %arg36: memref<!tpu.dma_semaphore, #tpu.memory_space<semaphore_mem>>, %arg37: memref<!tpu.dma_semaphore, #tpu.memory_space<semaphore_mem>>, %arg38: memref<!tpu.dma_semaphore, #tpu.memory_space<semaphore_mem>>, %arg39: memref<!tpu.dma_semaphore, #tpu.memory_space<semaphore_mem>>, %arg40: memref<!tpu.dma_semaphore, #tpu.memory_space<semaphore_mem>>) attributes {dimension_semantics = [#tpu.dimension_semantics<core_parallel>, #tpu.dimension_semantics<subcore_parallel>], iteration_bounds = array<i64: 2, 16>, scalar_prefetch = 0 : i64, scratch_operands = 22 : i64, tpu.core_type = #tpu.core_type<sc_vector_subcore>, window_params = [{transform_indices = #map}, {transform_indices = #map}, {transform_indices = #map}, {transform_indices = #map}, {transform_indices = #map1}, {transform_indices = #map1}, {transform_indices = #map1}, {transform_indices = #map1}, {transform_indices = #map1}, {transform_indices = #map1}, {transform_indices = #map1}, {transform_indices = #map1}, {transform_indices = #map1}, {transform_indices = #map1}, {transform_indices = #map1}, {transform_indices = #map1}, {transform_indices = #map}]} {
    %mul3A = arith.constant 2 : i32
    %mul3A_0 = arith.muli %arg1, %mul3A : i32
    %add3A = arith.addi %mul3A_0, %arg0 : i32
    %mul3A_1 = arith.constant 512 : i32
    %mul3A_2 = arith.muli %add3A, %mul3A_1 : i32
    %iota3A = tpu.iota {dimensions = array<i32: 0>} : vector<16xi32>
    %broadcast_in_dim3A = arith.constant 1 : i32
    %broadcast_in_dim3A_3 = vector.broadcast %broadcast_in_dim3A : i32 to vector<16xi32>
    %broadcast_in_dim3A_4 = arith.constant 0 : i32
    %broadcast_in_dim3A_5 = vector.broadcast %broadcast_in_dim3A_4 : i32 to vector<16xi32>
    %broadcast_in_dim3A_6 = arith.constant 0.000000e+00 : f32
    %broadcast_in_dim3A_7 = vector.broadcast %broadcast_in_dim3A_6 : f32 to vector<16xf32>
    "tpu.region"() ({
      %run_scoped3A = tpu.sem_alloc : memref<!tpu.dma_semaphore, #tpu.memory_space<semaphore_mem>>
      %dma_start3A = tpu.memref_slice %arg2[%mul3A_2] : memref<16384xi32, #tpu.memory_space<hbm>> -> memref<512xi32, #tpu.memory_space<hbm>>
      %dma_start3A_192 = tpu.memref_slice %arg2[%mul3A_2] : memref<16384xi32, #tpu.memory_space<hbm>> -> memref<512xi32, #tpu.memory_space<hbm>>
      tpu.enqueue_dma source(%dma_start3A_192 : memref<512xi32, #tpu.memory_space<hbm>>) target(%arg19 : memref<512xi32, #tpu.memory_space<vmem>>) target_semaphore(%run_scoped3A : memref<!tpu.dma_semaphore, #tpu.memory_space<semaphore_mem>>)
      %dma_wait3A = tpu.memref_slice %arg2[%mul3A_2] : memref<16384xi32, #tpu.memory_space<hbm>> -> memref<512xi32, #tpu.memory_space<hbm>>
      %dma_wait3A_193 = tpu.memref_slice %arg2[%mul3A_2] : memref<16384xi32, #tpu.memory_space<hbm>> -> memref<512xi32, #tpu.memory_space<hbm>>
      tpu.wait_dma2 semaphore(%run_scoped3A : memref<!tpu.dma_semaphore, #tpu.memory_space<semaphore_mem>>) src(%dma_wait3A_193 : memref<512xi32, #tpu.memory_space<hbm>>) dst(%arg19 : memref<512xi32, #tpu.memory_space<vmem>>)
      tpu.yield
    }) : () -> ()
    "tpu.region"() ({
      %run_scoped3A = tpu.sem_alloc : memref<!tpu.dma_semaphore, #tpu.memory_space<semaphore_mem>>
      %dma_start3A = tpu.memref_slice %arg3[%mul3A_2] : memref<16384xi32, #tpu.memory_space<hbm>> -> memref<512xi32, #tpu.memory_space<hbm>>
      %dma_start3A_192 = tpu.memref_slice %arg3[%mul3A_2] : memref<16384xi32, #tpu.memory_space<hbm>> -> memref<512xi32, #tpu.memory_space<hbm>>
      tpu.enqueue_dma source(%dma_start3A_192 : memref<512xi32, #tpu.memory_space<hbm>>) target(%arg20 : memref<512xi32, #tpu.memory_space<vmem>>) target_semaphore(%run_scoped3A : memref<!tpu.dma_semaphore, #tpu.memory_space<semaphore_mem>>)
      %dma_wait3A = tpu.memref_slice %arg3[%mul3A_2] : memref<16384xi32, #tpu.memory_space<hbm>> -> memref<512xi32, #tpu.memory_space<hbm>>
      %dma_wait3A_193 = tpu.memref_slice %arg3[%mul3A_2] : memref<16384xi32, #tpu.memory_space<hbm>> -> memref<512xi32, #tpu.memory_space<hbm>>
      tpu.wait_dma2 semaphore(%run_scoped3A : memref<!tpu.dma_semaphore, #tpu.memory_space<semaphore_mem>>) src(%dma_wait3A_193 : memref<512xi32, #tpu.memory_space<hbm>>) dst(%arg20 : memref<512xi32, #tpu.memory_space<vmem>>)
      tpu.yield
    }) : () -> ()
    "tpu.region"() ({
      %run_scoped3A = tpu.sem_alloc : memref<!tpu.dma_semaphore, #tpu.memory_space<semaphore_mem>>
      %dma_start3A = tpu.memref_slice %arg4[%mul3A_2] : memref<16384xi32, #tpu.memory_space<hbm>> -> memref<512xi32, #tpu.memory_space<hbm>>
      %dma_start3A_192 = tpu.memref_slice %arg4[%mul3A_2] : memref<16384xi32, #tpu.memory_space<hbm>> -> memref<512xi32, #tpu.memory_space<hbm>>
      tpu.enqueue_dma source(%dma_start3A_192 : memref<512xi32, #tpu.memory_space<hbm>>) target(%arg21 : memref<512xi32, #tpu.memory_space<vmem>>) target_semaphore(%run_scoped3A : memref<!tpu.dma_semaphore, #tpu.memory_space<semaphore_mem>>)
      %dma_wait3A = tpu.memref_slice %arg4[%mul3A_2] : memref<16384xi32, #tpu.memory_space<hbm>> -> memref<512xi32, #tpu.memory_space<hbm>>
      %dma_wait3A_193 = tpu.memref_slice %arg4[%mul3A_2] : memref<16384xi32, #tpu.memory_space<hbm>> -> memref<512xi32, #tpu.memory_space<hbm>>
      tpu.wait_dma2 semaphore(%run_scoped3A : memref<!tpu.dma_semaphore, #tpu.memory_space<semaphore_mem>>) src(%dma_wait3A_193 : memref<512xi32, #tpu.memory_space<hbm>>) dst(%arg21 : memref<512xi32, #tpu.memory_space<vmem>>)
      tpu.yield
    }) : () -> ()
    "tpu.region"() ({
      %run_scoped3A = tpu.sem_alloc : memref<!tpu.dma_semaphore, #tpu.memory_space<semaphore_mem>>
      %dma_start3A = tpu.memref_slice %arg5[%mul3A_2] : memref<16384xi32, #tpu.memory_space<hbm>> -> memref<512xi32, #tpu.memory_space<hbm>>
      %dma_start3A_192 = tpu.memref_slice %arg5[%mul3A_2] : memref<16384xi32, #tpu.memory_space<hbm>> -> memref<512xi32, #tpu.memory_space<hbm>>
      tpu.enqueue_dma source(%dma_start3A_192 : memref<512xi32, #tpu.memory_space<hbm>>) target(%arg22 : memref<512xi32, #tpu.memory_space<vmem>>) target_semaphore(%run_scoped3A : memref<!tpu.dma_semaphore, #tpu.memory_space<semaphore_mem>>)
      %dma_wait3A = tpu.memref_slice %arg5[%mul3A_2] : memref<16384xi32, #tpu.memory_space<hbm>> -> memref<512xi32, #tpu.memory_space<hbm>>
      %dma_wait3A_193 = tpu.memref_slice %arg5[%mul3A_2] : memref<16384xi32, #tpu.memory_space<hbm>> -> memref<512xi32, #tpu.memory_space<hbm>>
      tpu.wait_dma2 semaphore(%run_scoped3A : memref<!tpu.dma_semaphore, #tpu.memory_space<semaphore_mem>>) src(%dma_wait3A_193 : memref<512xi32, #tpu.memory_space<hbm>>) dst(%arg22 : memref<512xi32, #tpu.memory_space<vmem>>)
      tpu.yield
    }) : () -> ()
    %scan3A = arith.constant 0 : i32
    %scan3A_8 = arith.constant 0 : i32
    %scan3A_9 = arith.constant 0 : i32
    %scan3A_10 = arith.constant 0 : i32
    %scan3A_11 = arith.constant 0 : i32
    %scan3A_12 = arith.constant 32 : i32
    %scan3A_13 = arith.addi %scan3A_11, %scan3A_12 : i32
    %scan3A_14 = arith.constant 1 : i32
    %scan3A_15:4 = scf.for %scan3A_192 = %scan3A_11 to %scan3A_13 step %scan3A_14 iter_args(%scan3A_193 = %scan3A, %scan3A_194 = %scan3A_8, %scan3A_195 = %scan3A_9, %scan3A_196 = %scan3A_10) -> (i32, i32, i32, i32)  : i32 {
      %mul3A_197 = arith.constant 16 : i32
      %mul3A_198 = arith.muli %scan3A_192, %mul3A_197 : i32
      %get3A = arith.index_cast %mul3A_198 : i32 to index
      %get3A_199 = tpu.vector_load %arg22[%get3A] {strides = array<i32>} : memref<512xi32, #tpu.memory_space<vmem>>, vector<16xi32>,
      %eq3A_200 = arith.constant 0 : i32
      %eq3A_201 = vector.broadcast %eq3A_200 : i32 to vector<16xi32>
      %eq3A_202 = arith.cmpi eq, %get3A_199, %eq3A_201 : vector<16xi32>
      %select_n3A_203 = arith.select %eq3A_202, %broadcast_in_dim3A_3, %broadcast_in_dim3A_5 : vector<16xi1>, vector<16xi32>
      %reduce_sum3A = arith.constant true
      %reduce_sum3A_204 = vector.broadcast %reduce_sum3A : i1 to vector<16xi1>
      %reduce_sum3A_205 = tpu.scan <sum>, %select_n3A_203 masked %reduce_sum3A_204 : vector<16xi32>, vector<16xi1> -> vector<16xi32>
      %reduce_sum3A_206 = vector.extract %reduce_sum3A_205[15] : i32 from vector<16xi32>
      %add3A_207 = arith.addi %scan3A_193, %reduce_sum3A_206 : i32
      %eq3A_208 = arith.constant 1 : i32
      %eq3A_209 = vector.broadcast %eq3A_208 : i32 to vector<16xi32>
      %eq3A_210 = arith.cmpi eq, %get3A_199, %eq3A_209 : vector<16xi32>
      %select_n3A_211 = arith.select %eq3A_210, %broadcast_in_dim3A_3, %broadcast_in_dim3A_5 : vector<16xi1>, vector<16xi32>
      %reduce_sum3A_212 = arith.constant true
      %reduce_sum3A_213 = vector.broadcast %reduce_sum3A_212 : i1 to vector<16xi1>
      %reduce_sum3A_214 = tpu.scan <sum>, %select_n3A_211 masked %reduce_sum3A_213 : vector<16xi32>, vector<16xi1> -> vector<16xi32>
      %reduce_sum3A_215 = vector.extract %reduce_sum3A_214[15] : i32 from vector<16xi32>
      %add3A_216 = arith.addi %scan3A_194, %reduce_sum3A_215 : i32
      %eq3A_217 = arith.constant 2 : i32
      %eq3A_218 = vector.broadcast %eq3A_217 : i32 to vector<16xi32>
      %eq3A_219 = arith.cmpi eq, %get3A_199, %eq3A_218 : vector<16xi32>
      %select_n3A_220 = arith.select %eq3A_219, %broadcast_in_dim3A_3, %broadcast_in_dim3A_5 : vector<16xi1>, vector<16xi32>
      %reduce_sum3A_221 = arith.constant true
      %reduce_sum3A_222 = vector.broadcast %reduce_sum3A_221 : i1 to vector<16xi1>
      %reduce_sum3A_223 = tpu.scan <sum>, %select_n3A_220 masked %reduce_sum3A_222 : vector<16xi32>, vector<16xi1> -> vector<16xi32>
      %reduce_sum3A_224 = vector.extract %reduce_sum3A_223[15] : i32 from vector<16xi32>
      %add3A_225 = arith.addi %scan3A_195, %reduce_sum3A_224 : i32
      %eq3A_226 = arith.constant 3 : i32
      %eq3A_227 = vector.broadcast %eq3A_226 : i32 to vector<16xi32>
      %eq3A_228 = arith.cmpi eq, %get3A_199, %eq3A_227 : vector<16xi32>
      %select_n3A_229 = arith.select %eq3A_228, %broadcast_in_dim3A_3, %broadcast_in_dim3A_5 : vector<16xi1>, vector<16xi32>
      %reduce_sum3A_230 = arith.constant true
      %reduce_sum3A_231 = vector.broadcast %reduce_sum3A_230 : i1 to vector<16xi1>
      %reduce_sum3A_232 = tpu.scan <sum>, %select_n3A_229 masked %reduce_sum3A_231 : vector<16xi32>, vector<16xi1> -> vector<16xi32>
      %reduce_sum3A_233 = vector.extract %reduce_sum3A_232[15] : i32 from vector<16xi32>
      %add3A_234 = arith.addi %scan3A_196, %reduce_sum3A_233 : i32
      scf.yield %add3A_207, %add3A_216, %add3A_225, %add3A_234 : i32, i32, i32, i32
    }
    %scan3A_16 = arith.constant 32 : i32
    %add3A_17 = arith.constant 15 : i32
    %add3A_18 = arith.addi %scan3A_15#0, %add3A_17 : i32
    %jit3A = arith.constant 16 : i32
    %div3A = arith.divsi %add3A_18, %jit3A : i32
    %sign3A = arith.constant 0 : i32
    %sign3A_19 = arith.cmpi sgt, %add3A_18, %sign3A : i32
    %sign3A_20 = arith.extui %sign3A_19 : i1 to i32
    %sign3A_21 = arith.constant 0 : i32
    %sign3A_22 = arith.cmpi slt, %add3A_18, %sign3A_21 : i32
    %sign3A_23 = arith.extui %sign3A_22 : i1 to i32
    %sign3A_24 = arith.subi %sign3A_20, %sign3A_23 : i32
    %sign3A_25 = arith.constant 0 : i32
    %sign3A_26 = arith.cmpi sgt, %jit3A, %sign3A_25 : i32
    %sign3A_27 = arith.extui %sign3A_26 : i1 to i32
    %sign3A_28 = arith.constant 0 : i32
    %sign3A_29 = arith.cmpi slt, %jit3A, %sign3A_28 : i32
    %sign3A_30 = arith.extui %sign3A_29 : i1 to i32
    %sign3A_31 = arith.subi %sign3A_27, %sign3A_30 : i32
    %ne3A = arith.cmpi ne, %sign3A_24, %sign3A_31 : i32
    %rem3A = arith.remsi %add3A_18, %jit3A : i32
    %ne3A_32 = arith.constant 0 : i32
    %ne3A_33 = arith.cmpi ne, %rem3A, %ne3A_32 : i32
    %and3A = arith.andi %ne3A, %ne3A_33 : i1
    %sub3A = arith.constant 1 : i32
    %sub3A_34 = arith.subi %div3A, %sub3A : i32
    %select_n3A = arith.select %and3A, %sub3A_34, %div3A : i32
    %mul3A_35 = arith.constant 16 : i32
    %mul3A_36 = arith.muli %select_n3A, %mul3A_35 : i32
    %add3A_37 = arith.constant 15 : i32
    %add3A_38 = arith.addi %scan3A_15#1, %add3A_37 : i32
    %jit3A_39 = arith.constant 16 : i32
    %div3A_40 = arith.divsi %add3A_38, %jit3A_39 : i32
    %sign3A_41 = arith.constant 0 : i32
    %sign3A_42 = arith.cmpi sgt, %add3A_38, %sign3A_41 : i32
    %sign3A_43 = arith.extui %sign3A_42 : i1 to i32
    %sign3A_44 = arith.constant 0 : i32
    %sign3A_45 = arith.cmpi slt, %add3A_38, %sign3A_44 : i32
    %sign3A_46 = arith.extui %sign3A_45 : i1 to i32
    %sign3A_47 = arith.subi %sign3A_43, %sign3A_46 : i32
    %sign3A_48 = arith.constant 0 : i32
    %sign3A_49 = arith.cmpi sgt, %jit3A_39, %sign3A_48 : i32
    %sign3A_50 = arith.extui %sign3A_49 : i1 to i32
    %sign3A_51 = arith.constant 0 : i32
    %sign3A_52 = arith.cmpi slt, %jit3A_39, %sign3A_51 : i32
    %sign3A_53 = arith.extui %sign3A_52 : i1 to i32
    %sign3A_54 = arith.subi %sign3A_50, %sign3A_53 : i32
    %ne3A_55 = arith.cmpi ne, %sign3A_47, %sign3A_54 : i32
    %rem3A_56 = arith.remsi %add3A_38, %jit3A_39 : i32
    %ne3A_57 = arith.constant 0 : i32
    %ne3A_58 = arith.cmpi ne, %rem3A_56, %ne3A_57 : i32
    %and3A_59 = arith.andi %ne3A_55, %ne3A_58 : i1
    %sub3A_60 = arith.constant 1 : i32
    %sub3A_61 = arith.subi %div3A_40, %sub3A_60 : i32
    %select_n3A_62 = arith.select %and3A_59, %sub3A_61, %div3A_40 : i32
    %mul3A_63 = arith.constant 16 : i32
    %mul3A_64 = arith.muli %select_n3A_62, %mul3A_63 : i32
    %add3A_65 = arith.addi %mul3A_36, %mul3A_64 : i32
    %add3A_66 = arith.constant 15 : i32
    %add3A_67 = arith.addi %scan3A_15#2, %add3A_66 : i32
    %jit3A_68 = arith.constant 16 : i32
    %div3A_69 = arith.divsi %add3A_67, %jit3A_68 : i32
    %sign3A_70 = arith.constant 0 : i32
    %sign3A_71 = arith.cmpi sgt, %add3A_67, %sign3A_70 : i32
    %sign3A_72 = arith.extui %sign3A_71 : i1 to i32
    %sign3A_73 = arith.constant 0 : i32
    %sign3A_74 = arith.cmpi slt, %add3A_67, %sign3A_73 : i32
    %sign3A_75 = arith.extui %sign3A_74 : i1 to i32
    %sign3A_76 = arith.subi %sign3A_72, %sign3A_75 : i32
    %sign3A_77 = arith.constant 0 : i32
    %sign3A_78 = arith.cmpi sgt, %jit3A_68, %sign3A_77 : i32
    %sign3A_79 = arith.extui %sign3A_78 : i1 to i32
    %sign3A_80 = arith.constant 0 : i32
    %sign3A_81 = arith.cmpi slt, %jit3A_68, %sign3A_80 : i32
    %sign3A_82 = arith.extui %sign3A_81 : i1 to i32
    %sign3A_83 = arith.subi %sign3A_79, %sign3A_82 : i32
    %ne3A_84 = arith.cmpi ne, %sign3A_76, %sign3A_83 : i32
    %rem3A_85 = arith.remsi %add3A_67, %jit3A_68 : i32
    %ne3A_86 = arith.constant 0 : i32
    %ne3A_87 = arith.cmpi ne, %rem3A_85, %ne3A_86 : i32
    %and3A_88 = arith.andi %ne3A_84, %ne3A_87 : i1
    %sub3A_89 = arith.constant 1 : i32
    %sub3A_90 = arith.subi %div3A_69, %sub3A_89 : i32
    %select_n3A_91 = arith.select %and3A_88, %sub3A_90, %div3A_69 : i32
    %mul3A_92 = arith.constant 16 : i32
    %mul3A_93 = arith.muli %select_n3A_91, %mul3A_92 : i32
    %add3A_94 = arith.addi %add3A_65, %mul3A_93 : i32
    %add3A_95 = arith.constant 15 : i32
    %add3A_96 = arith.addi %scan3A_15#3, %add3A_95 : i32
    %jit3A_97 = arith.constant 16 : i32
    %div3A_98 = arith.divsi %add3A_96, %jit3A_97 : i32
    %sign3A_99 = arith.constant 0 : i32
    %sign3A_100 = arith.cmpi sgt, %add3A_96, %sign3A_99 : i32
    %sign3A_101 = arith.extui %sign3A_100 : i1 to i32
    %sign3A_102 = arith.constant 0 : i32
    %sign3A_103 = arith.cmpi slt, %add3A_96, %sign3A_102 : i32
    %sign3A_104 = arith.extui %sign3A_103 : i1 to i32
    %sign3A_105 = arith.subi %sign3A_101, %sign3A_104 : i32
    %sign3A_106 = arith.constant 0 : i32
    %sign3A_107 = arith.cmpi sgt, %jit3A_97, %sign3A_106 : i32
    %sign3A_108 = arith.extui %sign3A_107 : i1 to i32
    %sign3A_109 = arith.constant 0 : i32
    %sign3A_110 = arith.cmpi slt, %jit3A_97, %sign3A_109 : i32
    %sign3A_111 = arith.extui %sign3A_110 : i1 to i32
    %sign3A_112 = arith.subi %sign3A_108, %sign3A_111 : i32
    %ne3A_113 = arith.cmpi ne, %sign3A_105, %sign3A_112 : i32
    %rem3A_114 = arith.remsi %add3A_96, %jit3A_97 : i32
    %ne3A_115 = arith.constant 0 : i32
    %ne3A_116 = arith.cmpi ne, %rem3A_114, %ne3A_115 : i32
    %and3A_117 = arith.andi %ne3A_113, %ne3A_116 : i1
    %sub3A_118 = arith.constant 1 : i32
    %sub3A_119 = arith.subi %div3A_98, %sub3A_118 : i32
    %select_n3A_120 = arith.select %and3A_117, %sub3A_119, %div3A_98 : i32
    %mul3A_121 = arith.constant 16 : i32
    %mul3A_122 = arith.muli %select_n3A_120, %mul3A_121 : i32
    %add3A_123 = arith.addi %add3A_94, %mul3A_122 : i32
    %add3A_124 = arith.addi %mul3A_36, %scan3A_15#1 : i32
    %add3A_125 = arith.addi %add3A_65, %scan3A_15#2 : i32
    %add3A_126 = arith.addi %add3A_94, %scan3A_15#3 : i32
    %scan3A_127 = arith.constant 0 : i32
    %scan3A_128 = arith.constant 0 : i32
    %scan3A_129 = arith.constant 0 : i32
    %scan3A_130 = arith.constant 0 : i32
    %scan3A_131 = arith.constant 0 : i32
    %scan3A_132 = arith.constant 0 : i32
    %scan3A_133 = arith.constant 32 : i32
    %scan3A_134 = arith.addi %scan3A_132, %scan3A_133 : i32
    %scan3A_135 = arith.constant 1 : i32
    %scan3A_136:4 = scf.for %scan3A_192 = %scan3A_132 to %scan3A_134 step %scan3A_135 iter_args(%scan3A_193 = %scan3A_128, %scan3A_194 = %scan3A_129, %scan3A_195 = %scan3A_130, %scan3A_196 = %scan3A_131) -> (i32, i32, i32, i32)  : i32 {
      %mul3A_197 = arith.constant 16 : i32
      %mul3A_198 = arith.muli %scan3A_192, %mul3A_197 : i32
      %get3A = arith.index_cast %mul3A_198 : i32 to index
      %get3A_199 = tpu.vector_load %arg22[%get3A] {strides = array<i32>} : memref<512xi32, #tpu.memory_space<vmem>>, vector<16xi32>,
      %get3A_200 = arith.index_cast %mul3A_198 : i32 to index
      %get3A_201 = tpu.vector_load %arg19[%get3A_200] {strides = array<i32>} : memref<512xi32, #tpu.memory_space<vmem>>, vector<16xi32>,
      %get3A_202 = arith.index_cast %mul3A_198 : i32 to index
      %get3A_203 = tpu.vector_load %arg20[%get3A_202] {strides = array<i32>} : memref<512xi32, #tpu.memory_space<vmem>>, vector<16xi32>,
      %get3A_204 = arith.index_cast %mul3A_198 : i32 to index
      %get3A_205 = tpu.vector_load %arg21[%get3A_204] {strides = array<i32>} : memref<512xi32, #tpu.memory_space<vmem>>, vector<16xi32>,
      %add3A_206 = vector.broadcast %mul3A_198 : i32 to vector<16xi32>
      %add3A_207 = arith.addi %add3A_206, %iota3A : vector<16xi32>
      %eq3A_208 = arith.constant 0 : i32
      %eq3A_209 = vector.broadcast %eq3A_208 : i32 to vector<16xi32>
      %eq3A_210 = arith.cmpi eq, %get3A_199, %eq3A_209 : vector<16xi32>
      %select_n3A_211 = arith.select %eq3A_210, %broadcast_in_dim3A_3, %broadcast_in_dim3A_5 : vector<16xi1>, vector<16xi32>
      %add3A_212 = arith.addi %scan3A_127, %scan3A_193 : i32
      %broadcast_in_dim3A_213 = arith.constant true
      %broadcast_in_dim3A_214 = vector.broadcast %broadcast_in_dim3A_213 : i1 to vector<16xi1>
      %masked_cumsum3A = tpu.scan <sum>, %select_n3A_211 masked %broadcast_in_dim3A_214 : vector<16xi32>, vector<16xi1> -> vector<16xi32>
      %add3A_215 = vector.broadcast %add3A_212 : i32 to vector<16xi32>
      %add3A_216 = arith.addi %add3A_215, %masked_cumsum3A : vector<16xi32>
      %sub3A_217 = arith.subi %add3A_216, %select_n3A_211 : vector<16xi32>
      tpu.vector_store_idx %arg23[%sub3A_217], %get3A_201 masked %eq3A_210 : memref<576xi32, #tpu.memory_space<vmem>>[vector<16xi32>], vector<16xi32>, vector<16xi1>
      tpu.vector_store_idx %arg24[%sub3A_217], %get3A_203 masked %eq3A_210 : memref<576xi32, #tpu.memory_space<vmem>>[vector<16xi32>], vector<16xi32>, vector<16xi1>
      tpu.vector_store_idx %arg25[%sub3A_217], %get3A_205 masked %eq3A_210 : memref<576xi32, #tpu.memory_space<vmem>>[vector<16xi32>], vector<16xi32>, vector<16xi1>
      tpu.vector_store_idx %arg26[%sub3A_217], %add3A_207 masked %eq3A_210 : memref<576xi32, #tpu.memory_space<vmem>>[vector<16xi32>], vector<16xi32>, vector<16xi1>
      %reduce_sum3A = arith.constant true
      %reduce_sum3A_218 = vector.broadcast %reduce_sum3A : i1 to vector<16xi1>
      %reduce_sum3A_219 = tpu.scan <sum>, %select_n3A_211 masked %reduce_sum3A_218 : vector<16xi32>, vector<16xi1> -> vector<16xi32>
      %reduce_sum3A_220 = vector.extract %reduce_sum3A_219[15] : i32 from vector<16xi32>
      %add3A_221 = arith.addi %scan3A_193, %reduce_sum3A_220 : i32
      %eq3A_222 = arith.constant 1 : i32
      %eq3A_223 = vector.broadcast %eq3A_222 : i32 to vector<16xi32>
      %eq3A_224 = arith.cmpi eq, %get3A_199, %eq3A_223 : vector<16xi32>
      %select_n3A_225 = arith.select %eq3A_224, %broadcast_in_dim3A_3, %broadcast_in_dim3A_5 : vector<16xi1>, vector<16xi32>
      %add3A_226 = arith.addi %mul3A_36, %scan3A_194 : i32
      %broadcast_in_dim3A_227 = arith.constant true
      %broadcast_in_dim3A_228 = vector.broadcast %broadcast_in_dim3A_227 : i1 to vector<16xi1>
      %masked_cumsum3A_229 = tpu.scan <sum>, %select_n3A_225 masked %broadcast_in_dim3A_228 : vector<16xi32>, vector<16xi1> -> vector<16xi32>
      %add3A_230 = vector.broadcast %add3A_226 : i32 to vector<16xi32>
      %add3A_231 = arith.addi %add3A_230, %masked_cumsum3A_229 : vector<16xi32>
      %sub3A_232 = arith.subi %add3A_231, %select_n3A_225 : vector<16xi32>
      tpu.vector_store_idx %arg23[%sub3A_232], %get3A_201 masked %eq3A_224 : memref<576xi32, #tpu.memory_space<vmem>>[vector<16xi32>], vector<16xi32>, vector<16xi1>
      tpu.vector_store_idx %arg24[%sub3A_232], %get3A_203 masked %eq3A_224 : memref<576xi32, #tpu.memory_space<vmem>>[vector<16xi32>], vector<16xi32>, vector<16xi1>
      tpu.vector_store_idx %arg25[%sub3A_232], %get3A_205 masked %eq3A_224 : memref<576xi32, #tpu.memory_space<vmem>>[vector<16xi32>], vector<16xi32>, vector<16xi1>
      tpu.vector_store_idx %arg26[%sub3A_232], %add3A_207 masked %eq3A_224 : memref<576xi32, #tpu.memory_space<vmem>>[vector<16xi32>], vector<16xi32>, vector<16xi1>
      %reduce_sum3A_233 = arith.constant true
      %reduce_sum3A_234 = vector.broadcast %reduce_sum3A_233 : i1 to vector<16xi1>
      %reduce_sum3A_235 = tpu.scan <sum>, %select_n3A_225 masked %reduce_sum3A_234 : vector<16xi32>, vector<16xi1> -> vector<16xi32>
      %reduce_sum3A_236 = vector.extract %reduce_sum3A_235[15] : i32 from vector<16xi32>
      %add3A_237 = arith.addi %scan3A_194, %reduce_sum3A_236 : i32
      %eq3A_238 = arith.constant 2 : i32
      %eq3A_239 = vector.broadcast %eq3A_238 : i32 to vector<16xi32>
      %eq3A_240 = arith.cmpi eq, %get3A_199, %eq3A_239 : vector<16xi32>
      %select_n3A_241 = arith.select %eq3A_240, %broadcast_in_dim3A_3, %broadcast_in_dim3A_5 : vector<16xi1>, vector<16xi32>
      %add3A_242 = arith.addi %add3A_65, %scan3A_195 : i32
      %broadcast_in_dim3A_243 = arith.constant true
      %broadcast_in_dim3A_244 = vector.broadcast %broadcast_in_dim3A_243 : i1 to vector<16xi1>
      %masked_cumsum3A_245 = tpu.scan <sum>, %select_n3A_241 masked %broadcast_in_dim3A_244 : vector<16xi32>, vector<16xi1> -> vector<16xi32>
      %add3A_246 = vector.broadcast %add3A_242 : i32 to vector<16xi32>
      %add3A_247 = arith.addi %add3A_246, %masked_cumsum3A_245 : vector<16xi32>
      %sub3A_248 = arith.subi %add3A_247, %select_n3A_241 : vector<16xi32>
      tpu.vector_store_idx %arg23[%sub3A_248], %get3A_201 masked %eq3A_240 : memref<576xi32, #tpu.memory_space<vmem>>[vector<16xi32>], vector<16xi32>, vector<16xi1>
      tpu.vector_store_idx %arg24[%sub3A_248], %get3A_203 masked %eq3A_240 : memref<576xi32, #tpu.memory_space<vmem>>[vector<16xi32>], vector<16xi32>, vector<16xi1>
      tpu.vector_store_idx %arg25[%sub3A_248], %get3A_205 masked %eq3A_240 : memref<576xi32, #tpu.memory_space<vmem>>[vector<16xi32>], vector<16xi32>, vector<16xi1>
      tpu.vector_store_idx %arg26[%sub3A_248], %add3A_207 masked %eq3A_240 : memref<576xi32, #tpu.memory_space<vmem>>[vector<16xi32>], vector<16xi32>, vector<16xi1>
      %reduce_sum3A_249 = arith.constant true
      %reduce_sum3A_250 = vector.broadcast %reduce_sum3A_249 : i1 to vector<16xi1>
      %reduce_sum3A_251 = tpu.scan <sum>, %select_n3A_241 masked %reduce_sum3A_250 : vector<16xi32>, vector<16xi1> -> vector<16xi32>
      %reduce_sum3A_252 = vector.extract %reduce_sum3A_251[15] : i32 from vector<16xi32>
      %add3A_253 = arith.addi %scan3A_195, %reduce_sum3A_252 : i32
      %eq3A_254 = arith.constant 3 : i32
      %eq3A_255 = vector.broadcast %eq3A_254 : i32 to vector<16xi32>
      %eq3A_256 = arith.cmpi eq, %get3A_199, %eq3A_255 : vector<16xi32>
      %select_n3A_257 = arith.select %eq3A_256, %broadcast_in_dim3A_3, %broadcast_in_dim3A_5 : vector<16xi1>, vector<16xi32>
      %add3A_258 = arith.addi %add3A_94, %scan3A_196 : i32
      %broadcast_in_dim3A_259 = arith.constant true
      %broadcast_in_dim3A_260 = vector.broadcast %broadcast_in_dim3A_259 : i1 to vector<16xi1>
      %masked_cumsum3A_261 = tpu.scan <sum>, %select_n3A_257 masked %broadcast_in_dim3A_260 : vector<16xi32>, vector<16xi1> -> vector<16xi32>
      %add3A_262 = vector.broadcast %add3A_258 : i32 to vector<16xi32>
      %add3A_263 = arith.addi %add3A_262, %masked_cumsum3A_261 : vector<16xi32>
      %sub3A_264 = arith.subi %add3A_263, %select_n3A_257 : vector<16xi32>
      tpu.vector_store_idx %arg23[%sub3A_264], %get3A_201 masked %eq3A_256 : memref<576xi32, #tpu.memory_space<vmem>>[vector<16xi32>], vector<16xi32>, vector<16xi1>
      tpu.vector_store_idx %arg24[%sub3A_264], %get3A_203 masked %eq3A_256 : memref<576xi32, #tpu.memory_space<vmem>>[vector<16xi32>], vector<16xi32>, vector<16xi1>
      tpu.vector_store_idx %arg25[%sub3A_264], %get3A_205 masked %eq3A_256 : memref<576xi32, #tpu.memory_space<vmem>>[vector<16xi32>], vector<16xi32>, vector<16xi1>
      tpu.vector_store_idx %arg26[%sub3A_264], %add3A_207 masked %eq3A_256 : memref<576xi32, #tpu.memory_space<vmem>>[vector<16xi32>], vector<16xi32>, vector<16xi1>
      %reduce_sum3A_265 = arith.constant true
      %reduce_sum3A_266 = vector.broadcast %reduce_sum3A_265 : i1 to vector<16xi1>
      %reduce_sum3A_267 = tpu.scan <sum>, %select_n3A_257 masked %reduce_sum3A_266 : vector<16xi32>, vector<16xi1> -> vector<16xi32>
      %reduce_sum3A_268 = vector.extract %reduce_sum3A_267[15] : i32 from vector<16xi32>
      %add3A_269 = arith.addi %scan3A_196, %reduce_sum3A_268 : i32
      scf.yield %add3A_221, %add3A_237, %add3A_253, %add3A_269 : i32, i32, i32, i32
    }
    %scan3A_137 = arith.constant 32 : i32
    %add3A_138 = vector.broadcast %scan3A_15#0 : i32 to vector<16xi32>
    %add3A_139 = arith.addi %add3A_138, %iota3A : vector<16xi32>
    %lt3A = vector.broadcast %mul3A_36 : i32 to vector<16xi32>
    %lt3A_140 = arith.cmpi slt, %add3A_139, %lt3A : vector<16xi32>
    tpu.vector_store_idx %arg23[%add3A_139], %broadcast_in_dim3A_5 masked %lt3A_140 : memref<576xi32, #tpu.memory_space<vmem>>[vector<16xi32>], vector<16xi32>, vector<16xi1>
    tpu.vector_store_idx %arg24[%add3A_139], %broadcast_in_dim3A_5 masked %lt3A_140 : memref<576xi32, #tpu.memory_space<vmem>>[vector<16xi32>], vector<16xi32>, vector<16xi1>
    tpu.vector_store_idx %arg25[%add3A_139], %broadcast_in_dim3A_5 masked %lt3A_140 : memref<576xi32, #tpu.memory_space<vmem>>[vector<16xi32>], vector<16xi32>, vector<16xi1>
    %add3A_141 = vector.broadcast %add3A_124 : i32 to vector<16xi32>
    %add3A_142 = arith.addi %add3A_141, %iota3A : vector<16xi32>
    %lt3A_143 = vector.broadcast %add3A_65 : i32 to vector<16xi32>
    %lt3A_144 = arith.cmpi slt, %add3A_142, %lt3A_143 : vector<16xi32>
    tpu.vector_store_idx %arg23[%add3A_142], %broadcast_in_dim3A_5 masked %lt3A_144 : memref<576xi32, #tpu.memory_space<vmem>>[vector<16xi32>], vector<16xi32>, vector<16xi1>
    tpu.vector_store_idx %arg24[%add3A_142], %broadcast_in_dim3A_5 masked %lt3A_144 : memref<576xi32, #tpu.memory_space<vmem>>[vector<16xi32>], vector<16xi32>, vector<16xi1>
    tpu.vector_store_idx %arg25[%add3A_142], %broadcast_in_dim3A_5 masked %lt3A_144 : memref<576xi32, #tpu.memory_space<vmem>>[vector<16xi32>], vector<16xi32>, vector<16xi1>
    %add3A_145 = vector.broadcast %add3A_125 : i32 to vector<16xi32>
    %add3A_146 = arith.addi %add3A_145, %iota3A : vector<16xi32>
    %lt3A_147 = vector.broadcast %add3A_94 : i32 to vector<16xi32>
    %lt3A_148 = arith.cmpi slt, %add3A_146, %lt3A_147 : vector<16xi32>
    tpu.vector_store_idx %arg23[%add3A_146], %broadcast_in_dim3A_5 masked %lt3A_148 : memref<576xi32, #tpu.memory_space<vmem>>[vector<16xi32>], vector<16xi32>, vector<16xi1>
    tpu.vector_store_idx %arg24[%add3A_146], %broadcast_in_dim3A_5 masked %lt3A_148 : memref<576xi32, #tpu.memory_space<vmem>>[vector<16xi32>], vector<16xi32>, vector<16xi1>
    tpu.vector_store_idx %arg25[%add3A_146], %broadcast_in_dim3A_5 masked %lt3A_148 : memref<576xi32, #tpu.memory_space<vmem>>[vector<16xi32>], vector<16xi32>, vector<16xi1>
    %add3A_149 = vector.broadcast %add3A_126 : i32 to vector<16xi32>
    %add3A_150 = arith.addi %add3A_149, %iota3A : vector<16xi32>
    %lt3A_151 = arith.constant 576 : i32
    %lt3A_152 = vector.broadcast %lt3A_151 : i32 to vector<16xi32>
    %lt3A_153 = arith.cmpi slt, %add3A_150, %lt3A_152 : vector<16xi32>
    tpu.vector_store_idx %arg23[%add3A_150], %broadcast_in_dim3A_5 masked %lt3A_153 : memref<576xi32, #tpu.memory_space<vmem>>[vector<16xi32>], vector<16xi32>, vector<16xi1>
    tpu.vector_store_idx %arg24[%add3A_150], %broadcast_in_dim3A_5 masked %lt3A_153 : memref<576xi32, #tpu.memory_space<vmem>>[vector<16xi32>], vector<16xi32>, vector<16xi1>
    tpu.vector_store_idx %arg25[%add3A_150], %broadcast_in_dim3A_5 masked %lt3A_153 : memref<576xi32, #tpu.memory_space<vmem>>[vector<16xi32>], vector<16xi32>, vector<16xi1>
    %ge3A = arith.constant 0 : i32
    %ge3A_154 = arith.cmpi sge, %ge3A, %mul3A_36 : i32
    %jit3A_155 = arith.constant 1 : i32
    %jit3A_156 = arith.constant 0 : i32
    %select_n3A_157 = arith.select %ge3A_154, %jit3A_155, %jit3A_156 : i32
    %ge3A_158 = arith.constant 0 : i32
    %ge3A_159 = arith.cmpi sge, %ge3A_158, %add3A_65 : i32
    %jit3A_160 = arith.constant 1 : i32
    %jit3A_161 = arith.constant 0 : i32
    %select_n3A_162 = arith.select %ge3A_159, %jit3A_160, %jit3A_161 : i32
    %add3A_163 = arith.addi %select_n3A_157, %select_n3A_162 : i32
    %ge3A_164 = arith.constant 0 : i32
    %ge3A_165 = arith.cmpi sge, %ge3A_164, %add3A_94 : i32
    %jit3A_166 = arith.constant 1 : i32
    %jit3A_167 = arith.constant 0 : i32
    %select_n3A_168 = arith.select %ge3A_165, %jit3A_166, %jit3A_167 : i32
    %add3A_169 = arith.addi %add3A_163, %select_n3A_168 : i32
    %eq3A = arith.constant 0 : i32
    %eq3A_170 = arith.cmpi eq, %add3A_169, %eq3A : i32
    %convert_element_type3A = arith.extui %eq3A_170 : i1 to i32
    %cond3A = arith.constant 0 : i32
    %cond3A_171 = arith.constant 0 : i32
    %cond3A_172 = arith.cmpi ne, %convert_element_type3A, %cond3A_171 : i32
    scf.if %cond3A_172 {
      %multiple_of3A = tpu.assume_multiple %cond3A, 16 : i32
      %dma_start3A = tpu.memref_slice %arg23[%multiple_of3A] : memref<576xi32, #tpu.memory_space<vmem>> -> memref<16xi32, #tpu.memory_space<vmem>>
      %dma_start3A_192 = arith.constant 0 : i32
      %dma_start3A_193 = arith.constant 0 : i32
      %dma_start3A_194 = tpu.memref_slice %arg6[%dma_start3A_192, %dma_start3A_193] : memref<100000x128xf32, #tpu.memory_space<hbm>> -> memref<100000x128xf32, #tpu.memory_space<hbm>>
      tpu.enqueue_indirect_dma source(%dma_start3A_194 : memref<100000x128xf32, #tpu.memory_space<hbm>>) target(%arg27 : memref<16x128xf32, #tpu.memory_space<vmem>>) offsets(%dma_start3A : memref<16xi32, #tpu.memory_space<vmem>>) semaphore(%arg35 : memref<!tpu.dma_semaphore, #tpu.memory_space<semaphore_mem>>)
      %dma_start3A_195 = tpu.memref_slice %arg24[%multiple_of3A] : memref<576xi32, #tpu.memory_space<vmem>> -> memref<16xi32, #tpu.memory_space<vmem>>
      %dma_start3A_196 = arith.constant 0 : i32
      %dma_start3A_197 = arith.constant 0 : i32
      %dma_start3A_198 = tpu.memref_slice %arg7[%dma_start3A_196, %dma_start3A_197] : memref<100000x128xf32, #tpu.memory_space<hbm>> -> memref<100000x128xf32, #tpu.memory_space<hbm>>
      tpu.enqueue_indirect_dma source(%dma_start3A_198 : memref<100000x128xf32, #tpu.memory_space<hbm>>) target(%arg28 : memref<16x128xf32, #tpu.memory_space<vmem>>) offsets(%dma_start3A_195 : memref<16xi32, #tpu.memory_space<vmem>>) semaphore(%arg36 : memref<!tpu.dma_semaphore, #tpu.memory_space<semaphore_mem>>)
      %dma_start3A_199 = tpu.memref_slice %arg25[%multiple_of3A] : memref<576xi32, #tpu.memory_space<vmem>> -> memref<16xi32, #tpu.memory_space<vmem>>
      %dma_start3A_200 = arith.constant 0 : i32
      %dma_start3A_201 = arith.constant 0 : i32
      %dma_start3A_202 = tpu.memref_slice %arg8[%dma_start3A_200, %dma_start3A_201] : memref<1000x128xf32, #tpu.memory_space<hbm>> -> memref<1000x128xf32, #tpu.memory_space<hbm>>
      tpu.enqueue_indirect_dma source(%dma_start3A_202 : memref<1000x128xf32, #tpu.memory_space<hbm>>) target(%arg29 : memref<16x128xf32, #tpu.memory_space<vmem>>) offsets(%dma_start3A_199 : memref<16xi32, #tpu.memory_space<vmem>>) semaphore(%arg37 : memref<!tpu.dma_semaphore, #tpu.memory_space<semaphore_mem>>)
    } else {
    }
    %eq3A_173 = arith.constant 1 : i32
    %eq3A_174 = arith.cmpi eq, %add3A_169, %eq3A_173 : i32
    %convert_element_type3A_175 = arith.extui %eq3A_174 : i1 to i32
    %cond3A_176 = arith.constant 0 : i32
    %cond3A_177 = arith.constant 0 : i32
    %cond3A_178 = arith.cmpi ne, %convert_element_type3A_175, %cond3A_177 : i32
    scf.if %cond3A_178 {
      %multiple_of3A = tpu.assume_multiple %cond3A_176, 16 : i32
      %dma_start3A = tpu.memref_slice %arg23[%multiple_of3A] : memref<576xi32, #tpu.memory_space<vmem>> -> memref<16xi32, #tpu.memory_space<vmem>>
      %dma_start3A_192 = arith.constant 0 : i32
      %dma_start3A_193 = arith.constant 0 : i32
      %dma_start3A_194 = tpu.memref_slice %arg9[%dma_start3A_192, %dma_start3A_193] : memref<100000x128xf32, #tpu.memory_space<hbm>> -> memref<100000x128xf32, #tpu.memory_space<hbm>>
      tpu.enqueue_indirect_dma source(%dma_start3A_194 : memref<100000x128xf32, #tpu.memory_space<hbm>>) target(%arg27 : memref<16x128xf32, #tpu.memory_space<vmem>>) offsets(%dma_start3A : memref<16xi32, #tpu.memory_space<vmem>>) semaphore(%arg35 : memref<!tpu.dma_semaphore, #tpu.memory_space<semaphore_mem>>)
      %dma_start3A_195 = tpu.memref_slice %arg24[%multiple_of3A] : memref<576xi32, #tpu.memory_space<vmem>> -> memref<16xi32, #tpu.memory_space<vmem>>
      %dma_start3A_196 = arith.constant 0 : i32
      %dma_start3A_197 = arith.constant 0 : i32
      %dma_start3A_198 = tpu.memref_slice %arg10[%dma_start3A_196, %dma_start3A_197] : memref<100000x128xf32, #tpu.memory_space<hbm>> -> memref<100000x128xf32, #tpu.memory_space<hbm>>
      tpu.enqueue_indirect_dma source(%dma_start3A_198 : memref<100000x128xf32, #tpu.memory_space<hbm>>) target(%arg28 : memref<16x128xf32, #tpu.memory_space<vmem>>) offsets(%dma_start3A_195 : memref<16xi32, #tpu.memory_space<vmem>>) semaphore(%arg36 : memref<!tpu.dma_semaphore, #tpu.memory_space<semaphore_mem>>)
      %dma_start3A_199 = tpu.memref_slice %arg25[%multiple_of3A] : memref<576xi32, #tpu.memory_space<vmem>> -> memref<16xi32, #tpu.memory_space<vmem>>
      %dma_start3A_200 = arith.constant 0 : i32
      %dma_start3A_201 = arith.constant 0 : i32
      %dma_start3A_202 = tpu.memref_slice %arg11[%dma_start3A_200, %dma_start3A_201] : memref<1000x128xf32, #tpu.memory_space<hbm>> -> memref<1000x128xf32, #tpu.memory_space<hbm>>
      tpu.enqueue_indirect_dma source(%dma_start3A_202 : memref<1000x128xf32, #tpu.memory_space<hbm>>) target(%arg29 : memref<16x128xf32, #tpu.memory_space<vmem>>) offsets(%dma_start3A_199 : memref<16xi32, #tpu.memory_space<vmem>>) semaphore(%arg37 : memref<!tpu.dma_semaphore, #tpu.memory_space<semaphore_mem>>)
    } else {
    }
    %eq3A_179 = arith.constant 2 : i32
    %eq3A_180 = arith.cmpi eq, %add3A_169, %eq3A_179 : i32
    %convert_element_type3A_181 = arith.extui %eq3A_180 : i1 to i32
    %cond3A_182 = arith.constant 0 : i32
    %cond3A_183 = arith.constant 0 : i32
    %cond3A_184 = arith.cmpi ne, %convert_element_type3A_181, %cond3A_183 : i32
    scf.if %cond3A_184 {
      %multiple_of3A = tpu.assume_multiple %cond3A_182, 16 : i32
      %dma_start3A = tpu.memref_slice %arg23[%multiple_of3A] : memref<576xi32, #tpu.memory_space<vmem>> -> memref<16xi32, #tpu.memory_space<vmem>>
      %dma_start3A_192 = arith.constant 0 : i32
      %dma_start3A_193 = arith.constant 0 : i32
      %dma_start3A_194 = tpu.memref_slice %arg12[%dma_start3A_192, %dma_start3A_193] : memref<100000x128xf32, #tpu.memory_space<hbm>> -> memref<100000x128xf32, #tpu.memory_space<hbm>>
      tpu.enqueue_indirect_dma source(%dma_start3A_194 : memref<100000x128xf32, #tpu.memory_space<hbm>>) target(%arg27 : memref<16x128xf32, #tpu.memory_space<vmem>>) offsets(%dma_start3A : memref<16xi32, #tpu.memory_space<vmem>>) semaphore(%arg35 : memref<!tpu.dma_semaphore, #tpu.memory_space<semaphore_mem>>)
      %dma_start3A_195 = tpu.memref_slice %arg24[%multiple_of3A] : memref<576xi32, #tpu.memory_space<vmem>> -> memref<16xi32, #tpu.memory_space<vmem>>
      %dma_start3A_196 = arith.constant 0 : i32
      %dma_start3A_197 = arith.constant 0 : i32
      %dma_start3A_198 = tpu.memref_slice %arg13[%dma_start3A_196, %dma_start3A_197] : memref<100000x128xf32, #tpu.memory_space<hbm>> -> memref<100000x128xf32, #tpu.memory_space<hbm>>
      tpu.enqueue_indirect_dma source(%dma_start3A_198 : memref<100000x128xf32, #tpu.memory_space<hbm>>) target(%arg28 : memref<16x128xf32, #tpu.memory_space<vmem>>) offsets(%dma_start3A_195 : memref<16xi32, #tpu.memory_space<vmem>>) semaphore(%arg36 : memref<!tpu.dma_semaphore, #tpu.memory_space<semaphore_mem>>)
      %dma_start3A_199 = tpu.memref_slice %arg25[%multiple_of3A] : memref<576xi32, #tpu.memory_space<vmem>> -> memref<16xi32, #tpu.memory_space<vmem>>
      %dma_start3A_200 = arith.constant 0 : i32
      %dma_start3A_201 = arith.constant 0 : i32
      %dma_start3A_202 = tpu.memref_slice %arg14[%dma_start3A_200, %dma_start3A_201] : memref<1000x128xf32, #tpu.memory_space<hbm>> -> memref<1000x128xf32, #tpu.memory_space<hbm>>
      tpu.enqueue_indirect_dma source(%dma_start3A_202 : memref<1000x128xf32, #tpu.memory_space<hbm>>) target(%arg29 : memref<16x128xf32, #tpu.memory_space<vmem>>) offsets(%dma_start3A_199 : memref<16xi32, #tpu.memory_space<vmem>>) semaphore(%arg37 : memref<!tpu.dma_semaphore, #tpu.memory_space<semaphore_mem>>)
    } else {
    }
    %eq3A_185 = arith.constant 3 : i32
    %eq3A_186 = arith.cmpi eq, %add3A_169, %eq3A_185 : i32
    %convert_element_type3A_187 = arith.extui %eq3A_186 : i1 to i32
    %cond3A_188 = arith.constant 0 : i32
    %cond3A_189 = arith.constant 0 : i32
    %cond3A_190 = arith.cmpi ne, %convert_element_type3A_187, %cond3A_189 : i32
    scf.if %cond3A_190 {
      %multiple_of3A = tpu.assume_multiple %cond3A_188, 16 : i32
      %dma_start3A = tpu.memref_slice %arg23[%multiple_of3A] : memref<576xi32, #tpu.memory_space<vmem>> -> memref<16xi32, #tpu.memory_space<vmem>>
      %dma_start3A_192 = arith.constant 0 : i32
      %dma_start3A_193 = arith.constant 0 : i32
      %dma_start3A_194 = tpu.memref_slice %arg15[%dma_start3A_192, %dma_start3A_193] : memref<100000x128xf32, #tpu.memory_space<hbm>> -> memref<100000x128xf32, #tpu.memory_space<hbm>>
      tpu.enqueue_indirect_dma source(%dma_start3A_194 : memref<100000x128xf32, #tpu.memory_space<hbm>>) target(%arg27 : memref<16x128xf32, #tpu.memory_space<vmem>>) offsets(%dma_start3A : memref<16xi32, #tpu.memory_space<vmem>>) semaphore(%arg35 : memref<!tpu.dma_semaphore, #tpu.memory_space<semaphore_mem>>)
      %dma_start3A_195 = tpu.memref_slice %arg24[%multiple_of3A] : memref<576xi32, #tpu.memory_space<vmem>> -> memref<16xi32, #tpu.memory_space<vmem>>
      %dma_start3A_196 = arith.constant 0 : i32
      %dma_start3A_197 = arith.constant 0 : i32
      %dma_start3A_198 = tpu.memref_slice %arg16[%dma_start3A_196, %dma_start3A_197] : memref<100000x128xf32, #tpu.memory_space<hbm>> -> memref<100000x128xf32, #tpu.memory_space<hbm>>
      tpu.enqueue_indirect_dma source(%dma_start3A_198 : memref<100000x128xf32, #tpu.memory_space<hbm>>) target(%arg28 : memref<16x128xf32, #tpu.memory_space<vmem>>) offsets(%dma_start3A_195 : memref<16xi32, #tpu.memory_space<vmem>>) semaphore(%arg36 : memref<!tpu.dma_semaphore, #tpu.memory_space<semaphore_mem>>)
      %dma_start3A_199 = tpu.memref_slice %arg25[%multiple_of3A] : memref<576xi32, #tpu.memory_space<vmem>> -> memref<16xi32, #tpu.memory_space<vmem>>
      %dma_start3A_200 = arith.constant 0 : i32
      %dma_start3A_201 = arith.constant 0 : i32
      %dma_start3A_202 = tpu.memref_slice %arg17[%dma_start3A_200, %dma_start3A_201] : memref<1000x128xf32, #tpu.memory_space<hbm>> -> memref<1000x128xf32, #tpu.memory_space<hbm>>
      tpu.enqueue_indirect_dma source(%dma_start3A_202 : memref<1000x128xf32, #tpu.memory_space<hbm>>) target(%arg29 : memref<16x128xf32, #tpu.memory_space<vmem>>) offsets(%dma_start3A_199 : memref<16xi32, #tpu.memory_space<vmem>>) semaphore(%arg37 : memref<!tpu.dma_semaphore, #tpu.memory_space<semaphore_mem>>)
    } else {
    }
    %while3A = arith.constant 0 : i32
    %while3A_191 = scf.while (%while3A_192 = %while3A) : (i32) -> i32 {
      %lt3A_193 = arith.cmpi slt, %while3A_192, %add3A_123 : i32
      scf.condition(%lt3A_193) %while3A_192 : i32
    } do {
    ^bb0(%while3A_192: i32):
      %multiple_of3A = tpu.assume_multiple %while3A_192, 16 : i32
      %add3A_193 = arith.constant 16 : i32
      %add3A_194 = arith.addi %multiple_of3A, %add3A_193 : i32
      %add3A_195 = arith.constant 32 : i32
      %add3A_196 = arith.addi %multiple_of3A, %add3A_195 : i32
      %lt3A_197 = arith.cmpi slt, %add3A_194, %add3A_123 : i32
      %convert_element_type3A_198 = arith.extui %lt3A_197 : i1 to i32
      %cond3A_199 = arith.constant 0 : i32
      %cond3A_200 = arith.cmpi ne, %convert_element_type3A_198, %cond3A_199 : i32
      scf.if %cond3A_200 {
        %ge3A_256 = arith.cmpi sge, %add3A_194, %mul3A_36 : i32
        %jit3A_257 = arith.constant 1 : i32
        %jit3A_258 = arith.constant 0 : i32
        %select_n3A_259 = arith.select %ge3A_256, %jit3A_257, %jit3A_258 : i32
        %ge3A_260 = arith.cmpi sge, %add3A_194, %add3A_65 : i32
        %jit3A_261 = arith.constant 1 : i32
        %jit3A_262 = arith.constant 0 : i32
        %select_n3A_263 = arith.select %ge3A_260, %jit3A_261, %jit3A_262 : i32
        %add3A_264 = arith.addi %select_n3A_259, %select_n3A_263 : i32
        %ge3A_265 = arith.cmpi sge, %add3A_194, %add3A_94 : i32
        %jit3A_266 = arith.constant 1 : i32
        %jit3A_267 = arith.constant 0 : i32
        %select_n3A_268 = arith.select %ge3A_265, %jit3A_266, %jit3A_267 : i32
        %add3A_269 = arith.addi %add3A_264, %select_n3A_268 : i32
        %eq3A_270 = arith.constant 0 : i32
        %eq3A_271 = arith.cmpi eq, %add3A_269, %eq3A_270 : i32
        %convert_element_type3A_272 = arith.extui %eq3A_271 : i1 to i32
        %cond3A_273 = arith.constant 0 : i32
        %cond3A_274 = arith.cmpi ne, %convert_element_type3A_272, %cond3A_273 : i32
        scf.if %cond3A_274 {
          %multiple_of3A_290 = tpu.assume_multiple %add3A_194, 16 : i32
          %dma_start3A = tpu.memref_slice %arg23[%multiple_of3A_290] : memref<576xi32, #tpu.memory_space<vmem>> -> memref<16xi32, #tpu.memory_space<vmem>>
          %dma_start3A_291 = arith.constant 0 : i32
          %dma_start3A_292 = arith.constant 0 : i32
          %dma_start3A_293 = tpu.memref_slice %arg6[%dma_start3A_291, %dma_start3A_292] : memref<100000x128xf32, #tpu.memory_space<hbm>> -> memref<100000x128xf32, #tpu.memory_space<hbm>>
          tpu.enqueue_indirect_dma source(%dma_start3A_293 : memref<100000x128xf32, #tpu.memory_space<hbm>>) target(%arg30 : memref<16x128xf32, #tpu.memory_space<vmem>>) offsets(%dma_start3A : memref<16xi32, #tpu.memory_space<vmem>>) semaphore(%arg38 : memref<!tpu.dma_semaphore, #tpu.memory_space<semaphore_mem>>)
          %dma_start3A_294 = tpu.memref_slice %arg24[%multiple_of3A_290] : memref<576xi32, #tpu.memory_space<vmem>> -> memref<16xi32, #tpu.memory_space<vmem>>
          %dma_start3A_295 = arith.constant 0 : i32
          %dma_start3A_296 = arith.constant 0 : i32
          %dma_start3A_297 = tpu.memref_slice %arg7[%dma_start3A_295, %dma_start3A_296] : memref<100000x128xf32, #tpu.memory_space<hbm>> -> memref<100000x128xf32, #tpu.memory_space<hbm>>
          tpu.enqueue_indirect_dma source(%dma_start3A_297 : memref<100000x128xf32, #tpu.memory_space<hbm>>) target(%arg31 : memref<16x128xf32, #tpu.memory_space<vmem>>) offsets(%dma_start3A_294 : memref<16xi32, #tpu.memory_space<vmem>>) semaphore(%arg39 : memref<!tpu.dma_semaphore, #tpu.memory_space<semaphore_mem>>)
          %dma_start3A_298 = tpu.memref_slice %arg25[%multiple_of3A_290] : memref<576xi32, #tpu.memory_space<vmem>> -> memref<16xi32, #tpu.memory_space<vmem>>
          %dma_start3A_299 = arith.constant 0 : i32
          %dma_start3A_300 = arith.constant 0 : i32
          %dma_start3A_301 = tpu.memref_slice %arg8[%dma_start3A_299, %dma_start3A_300] : memref<1000x128xf32, #tpu.memory_space<hbm>> -> memref<1000x128xf32, #tpu.memory_space<hbm>>
          tpu.enqueue_indirect_dma source(%dma_start3A_301 : memref<1000x128xf32, #tpu.memory_space<hbm>>) target(%arg32 : memref<16x128xf32, #tpu.memory_space<vmem>>) offsets(%dma_start3A_298 : memref<16xi32, #tpu.memory_space<vmem>>) semaphore(%arg40 : memref<!tpu.dma_semaphore, #tpu.memory_space<semaphore_mem>>)
        } else {
        }
        %eq3A_275 = arith.constant 1 : i32
        %eq3A_276 = arith.cmpi eq, %add3A_269, %eq3A_275 : i32
        %convert_element_type3A_277 = arith.extui %eq3A_276 : i1 to i32
        %cond3A_278 = arith.constant 0 : i32
        %cond3A_279 = arith.cmpi ne, %convert_element_type3A_277, %cond3A_278 : i32
        scf.if %cond3A_279 {
          %multiple_of3A_290 = tpu.assume_multiple %add3A_194, 16 : i32
          %dma_start3A = tpu.memref_slice %arg23[%multiple_of3A_290] : memref<576xi32, #tpu.memory_space<vmem>> -> memref<16xi32, #tpu.memory_space<vmem>>
          %dma_start3A_291 = arith.constant 0 : i32
          %dma_start3A_292 = arith.constant 0 : i32
          %dma_start3A_293 = tpu.memref_slice %arg9[%dma_start3A_291, %dma_start3A_292] : memref<100000x128xf32, #tpu.memory_space<hbm>> -> memref<100000x128xf32, #tpu.memory_space<hbm>>
          tpu.enqueue_indirect_dma source(%dma_start3A_293 : memref<100000x128xf32, #tpu.memory_space<hbm>>) target(%arg30 : memref<16x128xf32, #tpu.memory_space<vmem>>) offsets(%dma_start3A : memref<16xi32, #tpu.memory_space<vmem>>) semaphore(%arg38 : memref<!tpu.dma_semaphore, #tpu.memory_space<semaphore_mem>>)
          %dma_start3A_294 = tpu.memref_slice %arg24[%multiple_of3A_290] : memref<576xi32, #tpu.memory_space<vmem>> -> memref<16xi32, #tpu.memory_space<vmem>>
          %dma_start3A_295 = arith.constant 0 : i32
          %dma_start3A_296 = arith.constant 0 : i32
          %dma_start3A_297 = tpu.memref_slice %arg10[%dma_start3A_295, %dma_start3A_296] : memref<100000x128xf32, #tpu.memory_space<hbm>> -> memref<100000x128xf32, #tpu.memory_space<hbm>>
          tpu.enqueue_indirect_dma source(%dma_start3A_297 : memref<100000x128xf32, #tpu.memory_space<hbm>>) target(%arg31 : memref<16x128xf32, #tpu.memory_space<vmem>>) offsets(%dma_start3A_294 : memref<16xi32, #tpu.memory_space<vmem>>) semaphore(%arg39 : memref<!tpu.dma_semaphore, #tpu.memory_space<semaphore_mem>>)
          %dma_start3A_298 = tpu.memref_slice %arg25[%multiple_of3A_290] : memref<576xi32, #tpu.memory_space<vmem>> -> memref<16xi32, #tpu.memory_space<vmem>>
          %dma_start3A_299 = arith.constant 0 : i32
          %dma_start3A_300 = arith.constant 0 : i32
          %dma_start3A_301 = tpu.memref_slice %arg11[%dma_start3A_299, %dma_start3A_300] : memref<1000x128xf32, #tpu.memory_space<hbm>> -> memref<1000x128xf32, #tpu.memory_space<hbm>>
          tpu.enqueue_indirect_dma source(%dma_start3A_301 : memref<1000x128xf32, #tpu.memory_space<hbm>>) target(%arg32 : memref<16x128xf32, #tpu.memory_space<vmem>>) offsets(%dma_start3A_298 : memref<16xi32, #tpu.memory_space<vmem>>) semaphore(%arg40 : memref<!tpu.dma_semaphore, #tpu.memory_space<semaphore_mem>>)
        } else {
        }
        %eq3A_280 = arith.constant 2 : i32
        %eq3A_281 = arith.cmpi eq, %add3A_269, %eq3A_280 : i32
        %convert_element_type3A_282 = arith.extui %eq3A_281 : i1 to i32
        %cond3A_283 = arith.constant 0 : i32
        %cond3A_284 = arith.cmpi ne, %convert_element_type3A_282, %cond3A_283 : i32
        scf.if %cond3A_284 {
          %multiple_of3A_290 = tpu.assume_multiple %add3A_194, 16 : i32
          %dma_start3A = tpu.memref_slice %arg23[%multiple_of3A_290] : memref<576xi32, #tpu.memory_space<vmem>> -> memref<16xi32, #tpu.memory_space<vmem>>
          %dma_start3A_291 = arith.constant 0 : i32
          %dma_start3A_292 = arith.constant 0 : i32
          %dma_start3A_293 = tpu.memref_slice %arg12[%dma_start3A_291, %dma_start3A_292] : memref<100000x128xf32, #tpu.memory_space<hbm>> -> memref<100000x128xf32, #tpu.memory_space<hbm>>
          tpu.enqueue_indirect_dma source(%dma_start3A_293 : memref<100000x128xf32, #tpu.memory_space<hbm>>) target(%arg30 : memref<16x128xf32, #tpu.memory_space<vmem>>) offsets(%dma_start3A : memref<16xi32, #tpu.memory_space<vmem>>) semaphore(%arg38 : memref<!tpu.dma_semaphore, #tpu.memory_space<semaphore_mem>>)
          %dma_start3A_294 = tpu.memref_slice %arg24[%multiple_of3A_290] : memref<576xi32, #tpu.memory_space<vmem>> -> memref<16xi32, #tpu.memory_space<vmem>>
          %dma_start3A_295 = arith.constant 0 : i32
          %dma_start3A_296 = arith.constant 0 : i32
          %dma_start3A_297 = tpu.memref_slice %arg13[%dma_start3A_295, %dma_start3A_296] : memref<100000x128xf32, #tpu.memory_space<hbm>> -> memref<100000x128xf32, #tpu.memory_space<hbm>>
          tpu.enqueue_indirect_dma source(%dma_start3A_297 : memref<100000x128xf32, #tpu.memory_space<hbm>>) target(%arg31 : memref<16x128xf32, #tpu.memory_space<vmem>>) offsets(%dma_start3A_294 : memref<16xi32, #tpu.memory_space<vmem>>) semaphore(%arg39 : memref<!tpu.dma_semaphore, #tpu.memory_space<semaphore_mem>>)
          %dma_start3A_298 = tpu.memref_slice %arg25[%multiple_of3A_290] : memref<576xi32, #tpu.memory_space<vmem>> -> memref<16xi32, #tpu.memory_space<vmem>>
          %dma_start3A_299 = arith.constant 0 : i32
          %dma_start3A_300 = arith.constant 0 : i32
          %dma_start3A_301 = tpu.memref_slice %arg14[%dma_start3A_299, %dma_start3A_300] : memref<1000x128xf32, #tpu.memory_space<hbm>> -> memref<1000x128xf32, #tpu.memory_space<hbm>>
          tpu.enqueue_indirect_dma source(%dma_start3A_301 : memref<1000x128xf32, #tpu.memory_space<hbm>>) target(%arg32 : memref<16x128xf32, #tpu.memory_space<vmem>>) offsets(%dma_start3A_298 : memref<16xi32, #tpu.memory_space<vmem>>) semaphore(%arg40 : memref<!tpu.dma_semaphore, #tpu.memory_space<semaphore_mem>>)
        } else {
        }
        %eq3A_285 = arith.constant 3 : i32
        %eq3A_286 = arith.cmpi eq, %add3A_269, %eq3A_285 : i32
        %convert_element_type3A_287 = arith.extui %eq3A_286 : i1 to i32
        %cond3A_288 = arith.constant 0 : i32
        %cond3A_289 = arith.cmpi ne, %convert_element_type3A_287, %cond3A_288 : i32
        scf.if %cond3A_289 {
          %multiple_of3A_290 = tpu.assume_multiple %add3A_194, 16 : i32
          %dma_start3A = tpu.memref_slice %arg23[%multiple_of3A_290] : memref<576xi32, #tpu.memory_space<vmem>> -> memref<16xi32, #tpu.memory_space<vmem>>
          %dma_start3A_291 = arith.constant 0 : i32
          %dma_start3A_292 = arith.constant 0 : i32
          %dma_start3A_293 = tpu.memref_slice %arg15[%dma_start3A_291, %dma_start3A_292] : memref<100000x128xf32, #tpu.memory_space<hbm>> -> memref<100000x128xf32, #tpu.memory_space<hbm>>
          tpu.enqueue_indirect_dma source(%dma_start3A_293 : memref<100000x128xf32, #tpu.memory_space<hbm>>) target(%arg30 : memref<16x128xf32, #tpu.memory_space<vmem>>) offsets(%dma_start3A : memref<16xi32, #tpu.memory_space<vmem>>) semaphore(%arg38 : memref<!tpu.dma_semaphore, #tpu.memory_space<semaphore_mem>>)
          %dma_start3A_294 = tpu.memref_slice %arg24[%multiple_of3A_290] : memref<576xi32, #tpu.memory_space<vmem>> -> memref<16xi32, #tpu.memory_space<vmem>>
          %dma_start3A_295 = arith.constant 0 : i32
          %dma_start3A_296 = arith.constant 0 : i32
          %dma_start3A_297 = tpu.memref_slice %arg16[%dma_start3A_295, %dma_start3A_296] : memref<100000x128xf32, #tpu.memory_space<hbm>> -> memref<100000x128xf32, #tpu.memory_space<hbm>>
          tpu.enqueue_indirect_dma source(%dma_start3A_297 : memref<100000x128xf32, #tpu.memory_space<hbm>>) target(%arg31 : memref<16x128xf32, #tpu.memory_space<vmem>>) offsets(%dma_start3A_294 : memref<16xi32, #tpu.memory_space<vmem>>) semaphore(%arg39 : memref<!tpu.dma_semaphore, #tpu.memory_space<semaphore_mem>>)
          %dma_start3A_298 = tpu.memref_slice %arg25[%multiple_of3A_290] : memref<576xi32, #tpu.memory_space<vmem>> -> memref<16xi32, #tpu.memory_space<vmem>>
          %dma_start3A_299 = arith.constant 0 : i32
          %dma_start3A_300 = arith.constant 0 : i32
          %dma_start3A_301 = tpu.memref_slice %arg17[%dma_start3A_299, %dma_start3A_300] : memref<1000x128xf32, #tpu.memory_space<hbm>> -> memref<1000x128xf32, #tpu.memory_space<hbm>>
          tpu.enqueue_indirect_dma source(%dma_start3A_301 : memref<1000x128xf32, #tpu.memory_space<hbm>>) target(%arg32 : memref<16x128xf32, #tpu.memory_space<vmem>>) offsets(%dma_start3A_298 : memref<16xi32, #tpu.memory_space<vmem>>) semaphore(%arg40 : memref<!tpu.dma_semaphore, #tpu.memory_space<semaphore_mem>>)
        } else {
        }
      } else {
      }
      %multiple_of3A_201 = tpu.assume_multiple %multiple_of3A, 16 : i32
      %dma_wait3A = tpu.memref_slice %arg23[%multiple_of3A_201] : memref<576xi32, #tpu.memory_space<vmem>> -> memref<16xi32, #tpu.memory_space<vmem>>
      %dma_wait3A_202 = arith.constant 0 : i32
      %dma_wait3A_203 = arith.constant 0 : i32
      %dma_wait3A_204 = tpu.memref_slice %arg6[%dma_wait3A_202, %dma_wait3A_203] : memref<100000x128xf32, #tpu.memory_space<hbm>> -> memref<100000x128xf32, #tpu.memory_space<hbm>>
      tpu.wait_indirect_dma semaphore(%arg35 : memref<!tpu.dma_semaphore, #tpu.memory_space<semaphore_mem>>) src(%dma_wait3A_204 : memref<100000x128xf32, #tpu.memory_space<hbm>>) dst(%arg27 : memref<16x128xf32, #tpu.memory_space<vmem>>)
      %dma_wait3A_205 = tpu.memref_slice %arg24[%multiple_of3A_201] : memref<576xi32, #tpu.memory_space<vmem>> -> memref<16xi32, #tpu.memory_space<vmem>>
      %dma_wait3A_206 = arith.constant 0 : i32
      %dma_wait3A_207 = arith.constant 0 : i32
      %dma_wait3A_208 = tpu.memref_slice %arg7[%dma_wait3A_206, %dma_wait3A_207] : memref<100000x128xf32, #tpu.memory_space<hbm>> -> memref<100000x128xf32, #tpu.memory_space<hbm>>
      tpu.wait_indirect_dma semaphore(%arg36 : memref<!tpu.dma_semaphore, #tpu.memory_space<semaphore_mem>>) src(%dma_wait3A_208 : memref<100000x128xf32, #tpu.memory_space<hbm>>) dst(%arg28 : memref<16x128xf32, #tpu.memory_space<vmem>>)
      %dma_wait3A_209 = tpu.memref_slice %arg25[%multiple_of3A_201] : memref<576xi32, #tpu.memory_space<vmem>> -> memref<16xi32, #tpu.memory_space<vmem>>
      %dma_wait3A_210 = arith.constant 0 : i32
      %dma_wait3A_211 = arith.constant 0 : i32
      %dma_wait3A_212 = tpu.memref_slice %arg8[%dma_wait3A_210, %dma_wait3A_211] : memref<1000x128xf32, #tpu.memory_space<hbm>> -> memref<1000x128xf32, #tpu.memory_space<hbm>>
      tpu.wait_indirect_dma semaphore(%arg37 : memref<!tpu.dma_semaphore, #tpu.memory_space<semaphore_mem>>) src(%dma_wait3A_212 : memref<1000x128xf32, #tpu.memory_space<hbm>>) dst(%arg29 : memref<16x128xf32, #tpu.memory_space<vmem>>)
      %multiple_of3A_213 = tpu.assume_multiple %multiple_of3A, 16 : i32
      %parallel_loop3A = arith.constant 0 : i32
      %parallel_loop3A_214 = arith.constant 16 : i32
      %parallel_loop3A_215 = arith.constant 1 : i32
      scf.for %parallel_loop3A_256 = %parallel_loop3A to %parallel_loop3A_214 step %parallel_loop3A_215  : i32 {
        %parallel_loop3A_257 = arith.index_cast %parallel_loop3A_256 : i32 to index
        %parallel_loop3A_258 = arith.constant 0 : index
        %parallel_loop3A_259 = tpu.vector_load %arg27[%parallel_loop3A_257, %parallel_loop3A_258] {strides = array<i32>} : memref<16x128xf32, #tpu.memory_space<vmem>>, vector<16xf32>,
        %parallel_loop3A_260 = arith.index_cast %parallel_loop3A_256 : i32 to index
        %parallel_loop3A_261 = arith.constant 0 : index
        %parallel_loop3A_262 = tpu.vector_load %arg28[%parallel_loop3A_260, %parallel_loop3A_261] {strides = array<i32>} : memref<16x128xf32, #tpu.memory_space<vmem>>, vector<16xf32>,
        %parallel_loop3A_263 = arith.mulf %parallel_loop3A_259, %parallel_loop3A_262 : vector<16xf32>
        %parallel_loop3A_264 = arith.index_cast %parallel_loop3A_256 : i32 to index
        %parallel_loop3A_265 = arith.constant 0 : index
        %parallel_loop3A_266 = tpu.vector_load %arg29[%parallel_loop3A_264, %parallel_loop3A_265] {strides = array<i32>} : memref<16x128xf32, #tpu.memory_space<vmem>>, vector<16xf32>,
        %parallel_loop3A_267 = arith.mulf %parallel_loop3A_263, %parallel_loop3A_266 : vector<16xf32>
        %parallel_loop3A_268 = arith.index_cast %parallel_loop3A_256 : i32 to index
        %parallel_loop3A_269 = arith.constant 16 : index
        %parallel_loop3A_270 = tpu.vector_load %arg27[%parallel_loop3A_268, %parallel_loop3A_269] {strides = array<i32>} : memref<16x128xf32, #tpu.memory_space<vmem>>, vector<16xf32>,
        %parallel_loop3A_271 = arith.index_cast %parallel_loop3A_256 : i32 to index
        %parallel_loop3A_272 = arith.constant 16 : index
        %parallel_loop3A_273 = tpu.vector_load %arg28[%parallel_loop3A_271, %parallel_loop3A_272] {strides = array<i32>} : memref<16x128xf32, #tpu.memory_space<vmem>>, vector<16xf32>,
        %parallel_loop3A_274 = arith.mulf %parallel_loop3A_270, %parallel_loop3A_273 : vector<16xf32>
        %parallel_loop3A_275 = arith.index_cast %parallel_loop3A_256 : i32 to index
        %parallel_loop3A_276 = arith.constant 16 : index
        %parallel_loop3A_277 = tpu.vector_load %arg29[%parallel_loop3A_275, %parallel_loop3A_276] {strides = array<i32>} : memref<16x128xf32, #tpu.memory_space<vmem>>, vector<16xf32>,
        %parallel_loop3A_278 = arith.mulf %parallel_loop3A_274, %parallel_loop3A_277 : vector<16xf32>
        %parallel_loop3A_279 = arith.addf %parallel_loop3A_267, %parallel_loop3A_278 : vector<16xf32>
        %parallel_loop3A_280 = arith.index_cast %parallel_loop3A_256 : i32 to index
        %parallel_loop3A_281 = arith.constant 32 : index
        %parallel_loop3A_282 = tpu.vector_load %arg27[%parallel_loop3A_280, %parallel_loop3A_281] {strides = array<i32>} : memref<16x128xf32, #tpu.memory_space<vmem>>, vector<16xf32>,
        %parallel_loop3A_283 = arith.index_cast %parallel_loop3A_256 : i32 to index
        %parallel_loop3A_284 = arith.constant 32 : index
        %parallel_loop3A_285 = tpu.vector_load %arg28[%parallel_loop3A_283, %parallel_loop3A_284] {strides = array<i32>} : memref<16x128xf32, #tpu.memory_space<vmem>>, vector<16xf32>,
        %parallel_loop3A_286 = arith.mulf %parallel_loop3A_282, %parallel_loop3A_285 : vector<16xf32>
        %parallel_loop3A_287 = arith.index_cast %parallel_loop3A_256 : i32 to index
        %parallel_loop3A_288 = arith.constant 32 : index
        %parallel_loop3A_289 = tpu.vector_load %arg29[%parallel_loop3A_287, %parallel_loop3A_288] {strides = array<i32>} : memref<16x128xf32, #tpu.memory_space<vmem>>, vector<16xf32>,
        %parallel_loop3A_290 = arith.mulf %parallel_loop3A_286, %parallel_loop3A_289 : vector<16xf32>
        %parallel_loop3A_291 = arith.addf %parallel_loop3A_279, %parallel_loop3A_290 : vector<16xf32>
        %parallel_loop3A_292 = arith.index_cast %parallel_loop3A_256 : i32 to index
        %parallel_loop3A_293 = arith.constant 48 : index
        %parallel_loop3A_294 = tpu.vector_load %arg27[%parallel_loop3A_292, %parallel_loop3A_293] {strides = array<i32>} : memref<16x128xf32, #tpu.memory_space<vmem>>, vector<16xf32>,
        %parallel_loop3A_295 = arith.index_cast %parallel_loop3A_256 : i32 to index
        %parallel_loop3A_296 = arith.constant 48 : index
        %parallel_loop3A_297 = tpu.vector_load %arg28[%parallel_loop3A_295, %parallel_loop3A_296] {strides = array<i32>} : memref<16x128xf32, #tpu.memory_space<vmem>>, vector<16xf32>,
        %parallel_loop3A_298 = arith.mulf %parallel_loop3A_294, %parallel_loop3A_297 : vector<16xf32>
        %parallel_loop3A_299 = arith.index_cast %parallel_loop3A_256 : i32 to index
        %parallel_loop3A_300 = arith.constant 48 : index
        %parallel_loop3A_301 = tpu.vector_load %arg29[%parallel_loop3A_299, %parallel_loop3A_300] {strides = array<i32>} : memref<16x128xf32, #tpu.memory_space<vmem>>, vector<16xf32>,
        %parallel_loop3A_302 = arith.mulf %parallel_loop3A_298, %parallel_loop3A_301 : vector<16xf32>
        %parallel_loop3A_303 = arith.addf %parallel_loop3A_291, %parallel_loop3A_302 : vector<16xf32>
        %parallel_loop3A_304 = arith.index_cast %parallel_loop3A_256 : i32 to index
        %parallel_loop3A_305 = arith.constant 64 : index
        %parallel_loop3A_306 = tpu.vector_load %arg27[%parallel_loop3A_304, %parallel_loop3A_305] {strides = array<i32>} : memref<16x128xf32, #tpu.memory_space<vmem>>, vector<16xf32>,
        %parallel_loop3A_307 = arith.index_cast %parallel_loop3A_256 : i32 to index
        %parallel_loop3A_308 = arith.constant 64 : index
        %parallel_loop3A_309 = tpu.vector_load %arg28[%parallel_loop3A_307, %parallel_loop3A_308] {strides = array<i32>} : memref<16x128xf32, #tpu.memory_space<vmem>>, vector<16xf32>,
        %parallel_loop3A_310 = arith.mulf %parallel_loop3A_306, %parallel_loop3A_309 : vector<16xf32>
        %parallel_loop3A_311 = arith.index_cast %parallel_loop3A_256 : i32 to index
        %parallel_loop3A_312 = arith.constant 64 : index
        %parallel_loop3A_313 = tpu.vector_load %arg29[%parallel_loop3A_311, %parallel_loop3A_312] {strides = array<i32>} : memref<16x128xf32, #tpu.memory_space<vmem>>, vector<16xf32>,
        %parallel_loop3A_314 = arith.mulf %parallel_loop3A_310, %parallel_loop3A_313 : vector<16xf32>
        %parallel_loop3A_315 = arith.addf %parallel_loop3A_303, %parallel_loop3A_314 : vector<16xf32>
        %parallel_loop3A_316 = arith.index_cast %parallel_loop3A_256 : i32 to index
        %parallel_loop3A_317 = arith.constant 80 : index
        %parallel_loop3A_318 = tpu.vector_load %arg27[%parallel_loop3A_316, %parallel_loop3A_317] {strides = array<i32>} : memref<16x128xf32, #tpu.memory_space<vmem>>, vector<16xf32>,
        %parallel_loop3A_319 = arith.index_cast %parallel_loop3A_256 : i32 to index
        %parallel_loop3A_320 = arith.constant 80 : index
        %parallel_loop3A_321 = tpu.vector_load %arg28[%parallel_loop3A_319, %parallel_loop3A_320] {strides = array<i32>} : memref<16x128xf32, #tpu.memory_space<vmem>>, vector<16xf32>,
        %parallel_loop3A_322 = arith.mulf %parallel_loop3A_318, %parallel_loop3A_321 : vector<16xf32>
        %parallel_loop3A_323 = arith.index_cast %parallel_loop3A_256 : i32 to index
        %parallel_loop3A_324 = arith.constant 80 : index
        %parallel_loop3A_325 = tpu.vector_load %arg29[%parallel_loop3A_323, %parallel_loop3A_324] {strides = array<i32>} : memref<16x128xf32, #tpu.memory_space<vmem>>, vector<16xf32>,
        %parallel_loop3A_326 = arith.mulf %parallel_loop3A_322, %parallel_loop3A_325 : vector<16xf32>
        %parallel_loop3A_327 = arith.addf %parallel_loop3A_315, %parallel_loop3A_326 : vector<16xf32>
        %parallel_loop3A_328 = arith.index_cast %parallel_loop3A_256 : i32 to index
        %parallel_loop3A_329 = arith.constant 96 : index
        %parallel_loop3A_330 = tpu.vector_load %arg27[%parallel_loop3A_328, %parallel_loop3A_329] {strides = array<i32>} : memref<16x128xf32, #tpu.memory_space<vmem>>, vector<16xf32>,
        %parallel_loop3A_331 = arith.index_cast %parallel_loop3A_256 : i32 to index
        %parallel_loop3A_332 = arith.constant 96 : index
        %parallel_loop3A_333 = tpu.vector_load %arg28[%parallel_loop3A_331, %parallel_loop3A_332] {strides = array<i32>} : memref<16x128xf32, #tpu.memory_space<vmem>>, vector<16xf32>,
        %parallel_loop3A_334 = arith.mulf %parallel_loop3A_330, %parallel_loop3A_333 : vector<16xf32>
        %parallel_loop3A_335 = arith.index_cast %parallel_loop3A_256 : i32 to index
        %parallel_loop3A_336 = arith.constant 96 : index
        %parallel_loop3A_337 = tpu.vector_load %arg29[%parallel_loop3A_335, %parallel_loop3A_336] {strides = array<i32>} : memref<16x128xf32, #tpu.memory_space<vmem>>, vector<16xf32>,
        %parallel_loop3A_338 = arith.mulf %parallel_loop3A_334, %parallel_loop3A_337 : vector<16xf32>
        %parallel_loop3A_339 = arith.addf %parallel_loop3A_327, %parallel_loop3A_338 : vector<16xf32>
        %parallel_loop3A_340 = arith.index_cast %parallel_loop3A_256 : i32 to index
        %parallel_loop3A_341 = arith.constant 112 : index
        %parallel_loop3A_342 = tpu.vector_load %arg27[%parallel_loop3A_340, %parallel_loop3A_341] {strides = array<i32>} : memref<16x128xf32, #tpu.memory_space<vmem>>, vector<16xf32>,
        %parallel_loop3A_343 = arith.index_cast %parallel_loop3A_256 : i32 to index
        %parallel_loop3A_344 = arith.constant 112 : index
        %parallel_loop3A_345 = tpu.vector_load %arg28[%parallel_loop3A_343, %parallel_loop3A_344] {strides = array<i32>} : memref<16x128xf32, #tpu.memory_space<vmem>>, vector<16xf32>,
        %parallel_loop3A_346 = arith.mulf %parallel_loop3A_342, %parallel_loop3A_345 : vector<16xf32>
        %parallel_loop3A_347 = arith.index_cast %parallel_loop3A_256 : i32 to index
        %parallel_loop3A_348 = arith.constant 112 : index
        %parallel_loop3A_349 = tpu.vector_load %arg29[%parallel_loop3A_347, %parallel_loop3A_348] {strides = array<i32>} : memref<16x128xf32, #tpu.memory_space<vmem>>, vector<16xf32>,
        %parallel_loop3A_350 = arith.mulf %parallel_loop3A_346, %parallel_loop3A_349 : vector<16xf32>
        %parallel_loop3A_351 = arith.addf %parallel_loop3A_339, %parallel_loop3A_350 : vector<16xf32>
        %parallel_loop3A_352 = arith.index_cast %parallel_loop3A_256 : i32 to index
        %parallel_loop3A_353 = arith.constant 0 : index
        %parallel_loop3A_354 = tpu.vector_load %arg33[%parallel_loop3A_352, %parallel_loop3A_353] {strides = array<i32>} : memref<16x16xf32, #tpu.memory_space<vmem>>, vector<16xf32>,
        tpu.vector_store %arg33[%parallel_loop3A_352, %parallel_loop3A_353], %parallel_loop3A_351 {strides = array<i32>} : memref<16x16xf32, #tpu.memory_space<vmem>>, vector<16xf32>,
      } {sc.loop_unroll_factor = 4 : i64, sc.parallel_access}
      %parallel_loop3A_216 = arith.constant 0 : i32
      %parallel_loop3A_217 = arith.constant 8 : i32
      %parallel_loop3A_218 = arith.constant 1 : i32
      %parallel_loop3A_219:3 = scf.for %parallel_loop3A_256 = %parallel_loop3A_216 to %parallel_loop3A_217 step %parallel_loop3A_218 iter_args(%parallel_loop3A_257 = %broadcast_in_dim3A_7, %parallel_loop3A_258 = %broadcast_in_dim3A_7, %parallel_loop3A_259 = %broadcast_in_dim3A_5) -> (vector<16xf32>, vector<16xf32>, vector<16xi32>)  : i32 {
        %parallel_loop3A_260 = tpu.vector_load_idx %arg33[%iota3A, %parallel_loop3A_259] : memref<16x16xf32, #tpu.memory_space<vmem>>[vector<16xi32>, vector<16xi32>], vector<16xf32>,
        %parallel_loop3A_261 = arith.addi %parallel_loop3A_259, %broadcast_in_dim3A_3 : vector<16xi32>
        %parallel_loop3A_262 = tpu.vector_load_idx %arg33[%iota3A, %parallel_loop3A_261] : memref<16x16xf32, #tpu.memory_space<vmem>>[vector<16xi32>, vector<16xi32>], vector<16xf32>,
        %parallel_loop3A_263 = arith.addf %parallel_loop3A_257, %parallel_loop3A_260 : vector<16xf32>
        %parallel_loop3A_264 = arith.addf %parallel_loop3A_258, %parallel_loop3A_262 : vector<16xf32>
        %parallel_loop3A_265 = arith.addi %parallel_loop3A_259, %broadcast_in_dim3A_3 : vector<16xi32>
        %parallel_loop3A_266 = arith.addi %parallel_loop3A_265, %broadcast_in_dim3A_3 : vector<16xi32>
        scf.yield %parallel_loop3A_263, %parallel_loop3A_264, %parallel_loop3A_266 : vector<16xf32>, vector<16xf32>, vector<16xi32>
      } {sc.loop_unroll_factor = 4 : i64, sc.parallel_access}
      %add3A_220 = arith.addf %parallel_loop3A_219#0, %parallel_loop3A_219#1 : vector<16xf32>
      %ge3A_221 = arith.cmpi sge, %multiple_of3A_213, %mul3A_36 : i32
      %jit3A_222 = arith.constant 1 : i32
      %jit3A_223 = arith.constant 0 : i32
      %select_n3A_224 = arith.select %ge3A_221, %jit3A_222, %jit3A_223 : i32
      %ge3A_225 = arith.cmpi sge, %multiple_of3A_213, %add3A_65 : i32
      %jit3A_226 = arith.constant 1 : i32
      %jit3A_227 = arith.constant 0 : i32
      %select_n3A_228 = arith.select %ge3A_225, %jit3A_226, %jit3A_227 : i32
      %add3A_229 = arith.addi %select_n3A_224, %select_n3A_228 : i32
      %ge3A_230 = arith.cmpi sge, %multiple_of3A_213, %add3A_94 : i32
      %jit3A_231 = arith.constant 1 : i32
      %jit3A_232 = arith.constant 0 : i32
      %select_n3A_233 = arith.select %ge3A_230, %jit3A_231, %jit3A_232 : i32
      %add3A_234 = arith.addi %add3A_229, %select_n3A_233 : i32
      %eq3A_235 = arith.constant 0 : i32
      %eq3A_236 = arith.cmpi eq, %add3A_234, %eq3A_235 : i32
      %eq3A_237 = arith.constant 1 : i32
      %eq3A_238 = arith.cmpi eq, %add3A_234, %eq3A_237 : i32
      %eq3A_239 = arith.constant 2 : i32
      %eq3A_240 = arith.cmpi eq, %add3A_234, %eq3A_239 : i32
      %select_n3A_241 = arith.select %eq3A_240, %add3A_125, %add3A_126 : i32
      %select_n3A_242 = arith.select %eq3A_238, %add3A_124, %select_n3A_241 : i32
      %select_n3A_243 = arith.select %eq3A_236, %scan3A_15#0, %select_n3A_242 : i32
      %sub3A_244 = arith.subi %select_n3A_243, %multiple_of3A_213 : i32
      %lt3A_245 = vector.broadcast %sub3A_244 : i32 to vector<16xi32>
      %lt3A_246 = arith.cmpi slt, %iota3A, %lt3A_245 : vector<16xi32>
      %get3A = arith.index_cast %multiple_of3A_213 : i32 to index
      %get3A_247 = tpu.vector_load %arg26[%get3A] {strides = array<i32>} : memref<576xi32, #tpu.memory_space<vmem>>, vector<16xi32>,
      tpu.vector_store_idx %arg34[%get3A_247], %add3A_220 masked %lt3A_246 : memref<512xf32, #tpu.memory_space<vmem>>[vector<16xi32>], vector<16xf32>, vector<16xi1>
      %lt3A_248 = arith.cmpi slt, %add3A_196, %add3A_123 : i32
      %convert_element_type3A_249 = arith.extui %lt3A_248 : i1 to i32
      %cond3A_250 = arith.constant 0 : i32
      %cond3A_251 = arith.cmpi ne, %convert_element_type3A_249, %cond3A_250 : i32
      scf.if %cond3A_251 {
        %ge3A_256 = arith.cmpi sge, %add3A_196, %mul3A_36 : i32
        %jit3A_257 = arith.constant 1 : i32
        %jit3A_258 = arith.constant 0 : i32
        %select_n3A_259 = arith.select %ge3A_256, %jit3A_257, %jit3A_258 : i32
        %ge3A_260 = arith.cmpi sge, %add3A_196, %add3A_65 : i32
        %jit3A_261 = arith.constant 1 : i32
        %jit3A_262 = arith.constant 0 : i32
        %select_n3A_263 = arith.select %ge3A_260, %jit3A_261, %jit3A_262 : i32
        %add3A_264 = arith.addi %select_n3A_259, %select_n3A_263 : i32
        %ge3A_265 = arith.cmpi sge, %add3A_196, %add3A_94 : i32
        %jit3A_266 = arith.constant 1 : i32
        %jit3A_267 = arith.constant 0 : i32
        %select_n3A_268 = arith.select %ge3A_265, %jit3A_266, %jit3A_267 : i32
        %add3A_269 = arith.addi %add3A_264, %select_n3A_268 : i32
        %eq3A_270 = arith.constant 0 : i32
        %eq3A_271 = arith.cmpi eq, %add3A_269, %eq3A_270 : i32
        %convert_element_type3A_272 = arith.extui %eq3A_271 : i1 to i32
        %cond3A_273 = arith.constant 0 : i32
        %cond3A_274 = arith.cmpi ne, %convert_element_type3A_272, %cond3A_273 : i32
        scf.if %cond3A_274 {
          %multiple_of3A_290 = tpu.assume_multiple %add3A_196, 16 : i32
          %dma_start3A = tpu.memref_slice %arg23[%multiple_of3A_290] : memref<576xi32, #tpu.memory_space<vmem>> -> memref<16xi32, #tpu.memory_space<vmem>>
          %dma_start3A_291 = arith.constant 0 : i32
          %dma_start3A_292 = arith.constant 0 : i32
          %dma_start3A_293 = tpu.memref_slice %arg6[%dma_start3A_291, %dma_start3A_292] : memref<100000x128xf32, #tpu.memory_space<hbm>> -> memref<100000x128xf32, #tpu.memory_space<hbm>>
          tpu.enqueue_indirect_dma source(%dma_start3A_293 : memref<100000x128xf32, #tpu.memory_space<hbm>>) target(%arg27 : memref<16x128xf32, #tpu.memory_space<vmem>>) offsets(%dma_start3A : memref<16xi32, #tpu.memory_space<vmem>>) semaphore(%arg35 : memref<!tpu.dma_semaphore, #tpu.memory_space<semaphore_mem>>)
          %dma_start3A_294 = tpu.memref_slice %arg24[%multiple_of3A_290] : memref<576xi32, #tpu.memory_space<vmem>> -> memref<16xi32, #tpu.memory_space<vmem>>
          %dma_start3A_295 = arith.constant 0 : i32
          %dma_start3A_296 = arith.constant 0 : i32
          %dma_start3A_297 = tpu.memref_slice %arg7[%dma_start3A_295, %dma_start3A_296] : memref<100000x128xf32, #tpu.memory_space<hbm>> -> memref<100000x128xf32, #tpu.memory_space<hbm>>
          tpu.enqueue_indirect_dma source(%dma_start3A_297 : memref<100000x128xf32, #tpu.memory_space<hbm>>) target(%arg28 : memref<16x128xf32, #tpu.memory_space<vmem>>) offsets(%dma_start3A_294 : memref<16xi32, #tpu.memory_space<vmem>>) semaphore(%arg36 : memref<!tpu.dma_semaphore, #tpu.memory_space<semaphore_mem>>)
          %dma_start3A_298 = tpu.memref_slice %arg25[%multiple_of3A_290] : memref<576xi32, #tpu.memory_space<vmem>> -> memref<16xi32, #tpu.memory_space<vmem>>
          %dma_start3A_299 = arith.constant 0 : i32
          %dma_start3A_300 = arith.constant 0 : i32
          %dma_start3A_301 = tpu.memref_slice %arg8[%dma_start3A_299, %dma_start3A_300] : memref<1000x128xf32, #tpu.memory_space<hbm>> -> memref<1000x128xf32, #tpu.memory_space<hbm>>
          tpu.enqueue_indirect_dma source(%dma_start3A_301 : memref<1000x128xf32, #tpu.memory_space<hbm>>) target(%arg29 : memref<16x128xf32, #tpu.memory_space<vmem>>) offsets(%dma_start3A_298 : memref<16xi32, #tpu.memory_space<vmem>>) semaphore(%arg37 : memref<!tpu.dma_semaphore, #tpu.memory_space<semaphore_mem>>)
        } else {
        }
        %eq3A_275 = arith.constant 1 : i32
        %eq3A_276 = arith.cmpi eq, %add3A_269, %eq3A_275 : i32
        %convert_element_type3A_277 = arith.extui %eq3A_276 : i1 to i32
        %cond3A_278 = arith.constant 0 : i32
        %cond3A_279 = arith.cmpi ne, %convert_element_type3A_277, %cond3A_278 : i32
        scf.if %cond3A_279 {
          %multiple_of3A_290 = tpu.assume_multiple %add3A_196, 16 : i32
          %dma_start3A = tpu.memref_slice %arg23[%multiple_of3A_290] : memref<576xi32, #tpu.memory_space<vmem>> -> memref<16xi32, #tpu.memory_space<vmem>>
          %dma_start3A_291 = arith.constant 0 : i32
          %dma_start3A_292 = arith.constant 0 : i32
          %dma_start3A_293 = tpu.memref_slice %arg9[%dma_start3A_291, %dma_start3A_292] : memref<100000x128xf32, #tpu.memory_space<hbm>> -> memref<100000x128xf32, #tpu.memory_space<hbm>>
          tpu.enqueue_indirect_dma source(%dma_start3A_293 : memref<100000x128xf32, #tpu.memory_space<hbm>>) target(%arg27 : memref<16x128xf32, #tpu.memory_space<vmem>>) offsets(%dma_start3A : memref<16xi32, #tpu.memory_space<vmem>>) semaphore(%arg35 : memref<!tpu.dma_semaphore, #tpu.memory_space<semaphore_mem>>)
          %dma_start3A_294 = tpu.memref_slice %arg24[%multiple_of3A_290] : memref<576xi32, #tpu.memory_space<vmem>> -> memref<16xi32, #tpu.memory_space<vmem>>
          %dma_start3A_295 = arith.constant 0 : i32
          %dma_start3A_296 = arith.constant 0 : i32
          %dma_start3A_297 = tpu.memref_slice %arg10[%dma_start3A_295, %dma_start3A_296] : memref<100000x128xf32, #tpu.memory_space<hbm>> -> memref<100000x128xf32, #tpu.memory_space<hbm>>
          tpu.enqueue_indirect_dma source(%dma_start3A_297 : memref<100000x128xf32, #tpu.memory_space<hbm>>) target(%arg28 : memref<16x128xf32, #tpu.memory_space<vmem>>) offsets(%dma_start3A_294 : memref<16xi32, #tpu.memory_space<vmem>>) semaphore(%arg36 : memref<!tpu.dma_semaphore, #tpu.memory_space<semaphore_mem>>)
          %dma_start3A_298 = tpu.memref_slice %arg25[%multiple_of3A_290] : memref<576xi32, #tpu.memory_space<vmem>> -> memref<16xi32, #tpu.memory_space<vmem>>
          %dma_start3A_299 = arith.constant 0 : i32
          %dma_start3A_300 = arith.constant 0 : i32
          %dma_start3A_301 = tpu.memref_slice %arg11[%dma_start3A_299, %dma_start3A_300] : memref<1000x128xf32, #tpu.memory_space<hbm>> -> memref<1000x128xf32, #tpu.memory_space<hbm>>
          tpu.enqueue_indirect_dma source(%dma_start3A_301 : memref<1000x128xf32, #tpu.memory_space<hbm>>) target(%arg29 : memref<16x128xf32, #tpu.memory_space<vmem>>) offsets(%dma_start3A_298 : memref<16xi32, #tpu.memory_space<vmem>>) semaphore(%arg37 : memref<!tpu.dma_semaphore, #tpu.memory_space<semaphore_mem>>)
        } else {
        }
        %eq3A_280 = arith.constant 2 : i32
        %eq3A_281 = arith.cmpi eq, %add3A_269, %eq3A_280 : i32
        %convert_element_type3A_282 = arith.extui %eq3A_281 : i1 to i32
        %cond3A_283 = arith.constant 0 : i32
        %cond3A_284 = arith.cmpi ne, %convert_element_type3A_282, %cond3A_283 : i32
        scf.if %cond3A_284 {
          %multiple_of3A_290 = tpu.assume_multiple %add3A_196, 16 : i32
          %dma_start3A = tpu.memref_slice %arg23[%multiple_of3A_290] : memref<576xi32, #tpu.memory_space<vmem>> -> memref<16xi32, #tpu.memory_space<vmem>>
          %dma_start3A_291 = arith.constant 0 : i32
          %dma_start3A_292 = arith.constant 0 : i32
          %dma_start3A_293 = tpu.memref_slice %arg12[%dma_start3A_291, %dma_start3A_292] : memref<100000x128xf32, #tpu.memory_space<hbm>> -> memref<100000x128xf32, #tpu.memory_space<hbm>>
          tpu.enqueue_indirect_dma source(%dma_start3A_293 : memref<100000x128xf32, #tpu.memory_space<hbm>>) target(%arg27 : memref<16x128xf32, #tpu.memory_space<vmem>>) offsets(%dma_start3A : memref<16xi32, #tpu.memory_space<vmem>>) semaphore(%arg35 : memref<!tpu.dma_semaphore, #tpu.memory_space<semaphore_mem>>)
          %dma_start3A_294 = tpu.memref_slice %arg24[%multiple_of3A_290] : memref<576xi32, #tpu.memory_space<vmem>> -> memref<16xi32, #tpu.memory_space<vmem>>
          %dma_start3A_295 = arith.constant 0 : i32
          %dma_start3A_296 = arith.constant 0 : i32
          %dma_start3A_297 = tpu.memref_slice %arg13[%dma_start3A_295, %dma_start3A_296] : memref<100000x128xf32, #tpu.memory_space<hbm>> -> memref<100000x128xf32, #tpu.memory_space<hbm>>
          tpu.enqueue_indirect_dma source(%dma_start3A_297 : memref<100000x128xf32, #tpu.memory_space<hbm>>) target(%arg28 : memref<16x128xf32, #tpu.memory_space<vmem>>) offsets(%dma_start3A_294 : memref<16xi32, #tpu.memory_space<vmem>>) semaphore(%arg36 : memref<!tpu.dma_semaphore, #tpu.memory_space<semaphore_mem>>)
          %dma_start3A_298 = tpu.memref_slice %arg25[%multiple_of3A_290] : memref<576xi32, #tpu.memory_space<vmem>> -> memref<16xi32, #tpu.memory_space<vmem>>
          %dma_start3A_299 = arith.constant 0 : i32
          %dma_start3A_300 = arith.constant 0 : i32
          %dma_start3A_301 = tpu.memref_slice %arg14[%dma_start3A_299, %dma_start3A_300] : memref<1000x128xf32, #tpu.memory_space<hbm>> -> memref<1000x128xf32, #tpu.memory_space<hbm>>
          tpu.enqueue_indirect_dma source(%dma_start3A_301 : memref<1000x128xf32, #tpu.memory_space<hbm>>) target(%arg29 : memref<16x128xf32, #tpu.memory_space<vmem>>) offsets(%dma_start3A_298 : memref<16xi32, #tpu.memory_space<vmem>>) semaphore(%arg37 : memref<!tpu.dma_semaphore, #tpu.memory_space<semaphore_mem>>)
        } else {
        }
        %eq3A_285 = arith.constant 3 : i32
        %eq3A_286 = arith.cmpi eq, %add3A_269, %eq3A_285 : i32
        %convert_element_type3A_287 = arith.extui %eq3A_286 : i1 to i32
        %cond3A_288 = arith.constant 0 : i32
        %cond3A_289 = arith.cmpi ne, %convert_element_type3A_287, %cond3A_288 : i32
        scf.if %cond3A_289 {
          %multiple_of3A_290 = tpu.assume_multiple %add3A_196, 16 : i32
          %dma_start3A = tpu.memref_slice %arg23[%multiple_of3A_290] : memref<576xi32, #tpu.memory_space<vmem>> -> memref<16xi32, #tpu.memory_space<vmem>>
          %dma_start3A_291 = arith.constant 0 : i32
          %dma_start3A_292 = arith.constant 0 : i32
          %dma_start3A_293 = tpu.memref_slice %arg15[%dma_start3A_291, %dma_start3A_292] : memref<100000x128xf32, #tpu.memory_space<hbm>> -> memref<100000x128xf32, #tpu.memory_space<hbm>>
          tpu.enqueue_indirect_dma source(%dma_start3A_293 : memref<100000x128xf32, #tpu.memory_space<hbm>>) target(%arg27 : memref<16x128xf32, #tpu.memory_space<vmem>>) offsets(%dma_start3A : memref<16xi32, #tpu.memory_space<vmem>>) semaphore(%arg35 : memref<!tpu.dma_semaphore, #tpu.memory_space<semaphore_mem>>)
          %dma_start3A_294 = tpu.memref_slice %arg24[%multiple_of3A_290] : memref<576xi32, #tpu.memory_space<vmem>> -> memref<16xi32, #tpu.memory_space<vmem>>
          %dma_start3A_295 = arith.constant 0 : i32
          %dma_start3A_296 = arith.constant 0 : i32
          %dma_start3A_297 = tpu.memref_slice %arg16[%dma_start3A_295, %dma_start3A_296] : memref<100000x128xf32, #tpu.memory_space<hbm>> -> memref<100000x128xf32, #tpu.memory_space<hbm>>
          tpu.enqueue_indirect_dma source(%dma_start3A_297 : memref<100000x128xf32, #tpu.memory_space<hbm>>) target(%arg28 : memref<16x128xf32, #tpu.memory_space<vmem>>) offsets(%dma_start3A_294 : memref<16xi32, #tpu.memory_space<vmem>>) semaphore(%arg36 : memref<!tpu.dma_semaphore, #tpu.memory_space<semaphore_mem>>)
          %dma_start3A_298 = tpu.memref_slice %arg25[%multiple_of3A_290] : memref<576xi32, #tpu.memory_space<vmem>> -> memref<16xi32, #tpu.memory_space<vmem>>
          %dma_start3A_299 = arith.constant 0 : i32
          %dma_start3A_300 = arith.constant 0 : i32
          %dma_start3A_301 = tpu.memref_slice %arg17[%dma_start3A_299, %dma_start3A_300] : memref<1000x128xf32, #tpu.memory_space<hbm>> -> memref<1000x128xf32, #tpu.memory_space<hbm>>
          tpu.enqueue_indirect_dma source(%dma_start3A_301 : memref<1000x128xf32, #tpu.memory_space<hbm>>) target(%arg29 : memref<16x128xf32, #tpu.memory_space<vmem>>) offsets(%dma_start3A_298 : memref<16xi32, #tpu.memory_space<vmem>>) semaphore(%arg37 : memref<!tpu.dma_semaphore, #tpu.memory_space<semaphore_mem>>)
        } else {
        }
      } else {
      }
      %lt3A_252 = arith.cmpi slt, %add3A_194, %add3A_123 : i32
      %convert_element_type3A_253 = arith.extui %lt3A_252 : i1 to i32
      %cond3A_254 = arith.constant 0 : i32
      %cond3A_255 = arith.cmpi ne, %convert_element_type3A_253, %cond3A_254 : i32
      scf.if %cond3A_255 {
        %multiple_of3A_256 = tpu.assume_multiple %add3A_194, 16 : i32
        %dma_wait3A_257 = tpu.memref_slice %arg23[%multiple_of3A_256] : memref<576xi32, #tpu.memory_space<vmem>> -> memref<16xi32, #tpu.memory_space<vmem>>
        %dma_wait3A_258 = arith.constant 0 : i32
        %dma_wait3A_259 = arith.constant 0 : i32
        %dma_wait3A_260 = tpu.memref_slice %arg6[%dma_wait3A_258, %dma_wait3A_259] : memref<100000x128xf32, #tpu.memory_space<hbm>> -> memref<100000x128xf32, #tpu.memory_space<hbm>>
        tpu.wait_indirect_dma semaphore(%arg38 : memref<!tpu.dma_semaphore, #tpu.memory_space<semaphore_mem>>) src(%dma_wait3A_260 : memref<100000x128xf32, #tpu.memory_space<hbm>>) dst(%arg30 : memref<16x128xf32, #tpu.memory_space<vmem>>)
        %dma_wait3A_261 = tpu.memref_slice %arg24[%multiple_of3A_256] : memref<576xi32, #tpu.memory_space<vmem>> -> memref<16xi32, #tpu.memory_space<vmem>>
        %dma_wait3A_262 = arith.constant 0 : i32
        %dma_wait3A_263 = arith.constant 0 : i32
        %dma_wait3A_264 = tpu.memref_slice %arg7[%dma_wait3A_262, %dma_wait3A_263] : memref<100000x128xf32, #tpu.memory_space<hbm>> -> memref<100000x128xf32, #tpu.memory_space<hbm>>
        tpu.wait_indirect_dma semaphore(%arg39 : memref<!tpu.dma_semaphore, #tpu.memory_space<semaphore_mem>>) src(%dma_wait3A_264 : memref<100000x128xf32, #tpu.memory_space<hbm>>) dst(%arg31 : memref<16x128xf32, #tpu.memory_space<vmem>>)
        %dma_wait3A_265 = tpu.memref_slice %arg25[%multiple_of3A_256] : memref<576xi32, #tpu.memory_space<vmem>> -> memref<16xi32, #tpu.memory_space<vmem>>
        %dma_wait3A_266 = arith.constant 0 : i32
        %dma_wait3A_267 = arith.constant 0 : i32
        %dma_wait3A_268 = tpu.memref_slice %arg8[%dma_wait3A_266, %dma_wait3A_267] : memref<1000x128xf32, #tpu.memory_space<hbm>> -> memref<1000x128xf32, #tpu.memory_space<hbm>>
        tpu.wait_indirect_dma semaphore(%arg40 : memref<!tpu.dma_semaphore, #tpu.memory_space<semaphore_mem>>) src(%dma_wait3A_268 : memref<1000x128xf32, #tpu.memory_space<hbm>>) dst(%arg32 : memref<16x128xf32, #tpu.memory_space<vmem>>)
        %multiple_of3A_269 = tpu.assume_multiple %add3A_194, 16 : i32
        %parallel_loop3A_270 = arith.constant 0 : i32
        %parallel_loop3A_271 = arith.constant 16 : i32
        %parallel_loop3A_272 = arith.constant 1 : i32
        scf.for %parallel_loop3A_306 = %parallel_loop3A_270 to %parallel_loop3A_271 step %parallel_loop3A_272  : i32 {
          %parallel_loop3A_307 = arith.index_cast %parallel_loop3A_306 : i32 to index
          %parallel_loop3A_308 = arith.constant 0 : index
          %parallel_loop3A_309 = tpu.vector_load %arg30[%parallel_loop3A_307, %parallel_loop3A_308] {strides = array<i32>} : memref<16x128xf32, #tpu.memory_space<vmem>>, vector<16xf32>,
          %parallel_loop3A_310 = arith.index_cast %parallel_loop3A_306 : i32 to index
          %parallel_loop3A_311 = arith.constant 0 : index
          %parallel_loop3A_312 = tpu.vector_load %arg31[%parallel_loop3A_310, %parallel_loop3A_311] {strides = array<i32>} : memref<16x128xf32, #tpu.memory_space<vmem>>, vector<16xf32>,
          %parallel_loop3A_313 = arith.mulf %parallel_loop3A_309, %parallel_loop3A_312 : vector<16xf32>
          %parallel_loop3A_314 = arith.index_cast %parallel_loop3A_306 : i32 to index
          %parallel_loop3A_315 = arith.constant 0 : index
          %parallel_loop3A_316 = tpu.vector_load %arg32[%parallel_loop3A_314, %parallel_loop3A_315] {strides = array<i32>} : memref<16x128xf32, #tpu.memory_space<vmem>>, vector<16xf32>,
          %parallel_loop3A_317 = arith.mulf %parallel_loop3A_313, %parallel_loop3A_316 : vector<16xf32>
          %parallel_loop3A_318 = arith.index_cast %parallel_loop3A_306 : i32 to index
          %parallel_loop3A_319 = arith.constant 16 : index
          %parallel_loop3A_320 = tpu.vector_load %arg30[%parallel_loop3A_318, %parallel_loop3A_319] {strides = array<i32>} : memref<16x128xf32, #tpu.memory_space<vmem>>, vector<16xf32>,
          %parallel_loop3A_321 = arith.index_cast %parallel_loop3A_306 : i32 to index
          %parallel_loop3A_322 = arith.constant 16 : index
          %parallel_loop3A_323 = tpu.vector_load %arg31[%parallel_loop3A_321, %parallel_loop3A_322] {strides = array<i32>} : memref<16x128xf32, #tpu.memory_space<vmem>>, vector<16xf32>,
          %parallel_loop3A_324 = arith.mulf %parallel_loop3A_320, %parallel_loop3A_323 : vector<16xf32>
          %parallel_loop3A_325 = arith.index_cast %parallel_loop3A_306 : i32 to index
          %parallel_loop3A_326 = arith.constant 16 : index
          %parallel_loop3A_327 = tpu.vector_load %arg32[%parallel_loop3A_325, %parallel_loop3A_326] {strides = array<i32>} : memref<16x128xf32, #tpu.memory_space<vmem>>, vector<16xf32>,
          %parallel_loop3A_328 = arith.mulf %parallel_loop3A_324, %parallel_loop3A_327 : vector<16xf32>
          %parallel_loop3A_329 = arith.addf %parallel_loop3A_317, %parallel_loop3A_328 : vector<16xf32>
          %parallel_loop3A_330 = arith.index_cast %parallel_loop3A_306 : i32 to index
          %parallel_loop3A_331 = arith.constant 32 : index
          %parallel_loop3A_332 = tpu.vector_load %arg30[%parallel_loop3A_330, %parallel_loop3A_331] {strides = array<i32>} : memref<16x128xf32, #tpu.memory_space<vmem>>, vector<16xf32>,
          %parallel_loop3A_333 = arith.index_cast %parallel_loop3A_306 : i32 to index
          %parallel_loop3A_334 = arith.constant 32 : index
          %parallel_loop3A_335 = tpu.vector_load %arg31[%parallel_loop3A_333, %parallel_loop3A_334] {strides = array<i32>} : memref<16x128xf32, #tpu.memory_space<vmem>>, vector<16xf32>,
          %parallel_loop3A_336 = arith.mulf %parallel_loop3A_332, %parallel_loop3A_335 : vector<16xf32>
          %parallel_loop3A_337 = arith.index_cast %parallel_loop3A_306 : i32 to index
          %parallel_loop3A_338 = arith.constant 32 : index
          %parallel_loop3A_339 = tpu.vector_load %arg32[%parallel_loop3A_337, %parallel_loop3A_338] {strides = array<i32>} : memref<16x128xf32, #tpu.memory_space<vmem>>, vector<16xf32>,
          %parallel_loop3A_340 = arith.mulf %parallel_loop3A_336, %parallel_loop3A_339 : vector<16xf32>
          %parallel_loop3A_341 = arith.addf %parallel_loop3A_329, %parallel_loop3A_340 : vector<16xf32>
          %parallel_loop3A_342 = arith.index_cast %parallel_loop3A_306 : i32 to index
          %parallel_loop3A_343 = arith.constant 48 : index
          %parallel_loop3A_344 = tpu.vector_load %arg30[%parallel_loop3A_342, %parallel_loop3A_343] {strides = array<i32>} : memref<16x128xf32, #tpu.memory_space<vmem>>, vector<16xf32>,
          %parallel_loop3A_345 = arith.index_cast %parallel_loop3A_306 : i32 to index
          %parallel_loop3A_346 = arith.constant 48 : index
          %parallel_loop3A_347 = tpu.vector_load %arg31[%parallel_loop3A_345, %parallel_loop3A_346] {strides = array<i32>} : memref<16x128xf32, #tpu.memory_space<vmem>>, vector<16xf32>,
          %parallel_loop3A_348 = arith.mulf %parallel_loop3A_344, %parallel_loop3A_347 : vector<16xf32>
          %parallel_loop3A_349 = arith.index_cast %parallel_loop3A_306 : i32 to index
          %parallel_loop3A_350 = arith.constant 48 : index
          %parallel_loop3A_351 = tpu.vector_load %arg32[%parallel_loop3A_349, %parallel_loop3A_350] {strides = array<i32>} : memref<16x128xf32, #tpu.memory_space<vmem>>, vector<16xf32>,
          %parallel_loop3A_352 = arith.mulf %parallel_loop3A_348, %parallel_loop3A_351 : vector<16xf32>
          %parallel_loop3A_353 = arith.addf %parallel_loop3A_341, %parallel_loop3A_352 : vector<16xf32>
          %parallel_loop3A_354 = arith.index_cast %parallel_loop3A_306 : i32 to index
          %parallel_loop3A_355 = arith.constant 64 : index
          %parallel_loop3A_356 = tpu.vector_load %arg30[%parallel_loop3A_354, %parallel_loop3A_355] {strides = array<i32>} : memref<16x128xf32, #tpu.memory_space<vmem>>, vector<16xf32>,
          %parallel_loop3A_357 = arith.index_cast %parallel_loop3A_306 : i32 to index
          %parallel_loop3A_358 = arith.constant 64 : index
          %parallel_loop3A_359 = tpu.vector_load %arg31[%parallel_loop3A_357, %parallel_loop3A_358] {strides = array<i32>} : memref<16x128xf32, #tpu.memory_space<vmem>>, vector<16xf32>,
          %parallel_loop3A_360 = arith.mulf %parallel_loop3A_356, %parallel_loop3A_359 : vector<16xf32>
          %parallel_loop3A_361 = arith.index_cast %parallel_loop3A_306 : i32 to index
          %parallel_loop3A_362 = arith.constant 64 : index
          %parallel_loop3A_363 = tpu.vector_load %arg32[%parallel_loop3A_361, %parallel_loop3A_362] {strides = array<i32>} : memref<16x128xf32, #tpu.memory_space<vmem>>, vector<16xf32>,
          %parallel_loop3A_364 = arith.mulf %parallel_loop3A_360, %parallel_loop3A_363 : vector<16xf32>
          %parallel_loop3A_365 = arith.addf %parallel_loop3A_353, %parallel_loop3A_364 : vector<16xf32>
          %parallel_loop3A_366 = arith.index_cast %parallel_loop3A_306 : i32 to index
          %parallel_loop3A_367 = arith.constant 80 : index
          %parallel_loop3A_368 = tpu.vector_load %arg30[%parallel_loop3A_366, %parallel_loop3A_367] {strides = array<i32>} : memref<16x128xf32, #tpu.memory_space<vmem>>, vector<16xf32>,
          %parallel_loop3A_369 = arith.index_cast %parallel_loop3A_306 : i32 to index
          %parallel_loop3A_370 = arith.constant 80 : index
          %parallel_loop3A_371 = tpu.vector_load %arg31[%parallel_loop3A_369, %parallel_loop3A_370] {strides = array<i32>} : memref<16x128xf32, #tpu.memory_space<vmem>>, vector<16xf32>,
          %parallel_loop3A_372 = arith.mulf %parallel_loop3A_368, %parallel_loop3A_371 : vector<16xf32>
          %parallel_loop3A_373 = arith.index_cast %parallel_loop3A_306 : i32 to index
          %parallel_loop3A_374 = arith.constant 80 : index
          %parallel_loop3A_375 = tpu.vector_load %arg32[%parallel_loop3A_373, %parallel_loop3A_374] {strides = array<i32>} : memref<16x128xf32, #tpu.memory_space<vmem>>, vector<16xf32>,
          %parallel_loop3A_376 = arith.mulf %parallel_loop3A_372, %parallel_loop3A_375 : vector<16xf32>
          %parallel_loop3A_377 = arith.addf %parallel_loop3A_365, %parallel_loop3A_376 : vector<16xf32>
          %parallel_loop3A_378 = arith.index_cast %parallel_loop3A_306 : i32 to index
          %parallel_loop3A_379 = arith.constant 96 : index
          %parallel_loop3A_380 = tpu.vector_load %arg30[%parallel_loop3A_378, %parallel_loop3A_379] {strides = array<i32>} : memref<16x128xf32, #tpu.memory_space<vmem>>, vector<16xf32>,
          %parallel_loop3A_381 = arith.index_cast %parallel_loop3A_306 : i32 to index
          %parallel_loop3A_382 = arith.constant 96 : index
          %parallel_loop3A_383 = tpu.vector_load %arg31[%parallel_loop3A_381, %parallel_loop3A_382] {strides = array<i32>} : memref<16x128xf32, #tpu.memory_space<vmem>>, vector<16xf32>,
          %parallel_loop3A_384 = arith.mulf %parallel_loop3A_380, %parallel_loop3A_383 : vector<16xf32>
          %parallel_loop3A_385 = arith.index_cast %parallel_loop3A_306 : i32 to index
          %parallel_loop3A_386 = arith.constant 96 : index
          %parallel_loop3A_387 = tpu.vector_load %arg32[%parallel_loop3A_385, %parallel_loop3A_386] {strides = array<i32>} : memref<16x128xf32, #tpu.memory_space<vmem>>, vector<16xf32>,
          %parallel_loop3A_388 = arith.mulf %parallel_loop3A_384, %parallel_loop3A_387 : vector<16xf32>
          %parallel_loop3A_389 = arith.addf %parallel_loop3A_377, %parallel_loop3A_388 : vector<16xf32>
          %parallel_loop3A_390 = arith.index_cast %parallel_loop3A_306 : i32 to index
          %parallel_loop3A_391 = arith.constant 112 : index
          %parallel_loop3A_392 = tpu.vector_load %arg30[%parallel_loop3A_390, %parallel_loop3A_391] {strides = array<i32>} : memref<16x128xf32, #tpu.memory_space<vmem>>, vector<16xf32>,
          %parallel_loop3A_393 = arith.index_cast %parallel_loop3A_306 : i32 to index
          %parallel_loop3A_394 = arith.constant 112 : index
          %parallel_loop3A_395 = tpu.vector_load %arg31[%parallel_loop3A_393, %parallel_loop3A_394] {strides = array<i32>} : memref<16x128xf32, #tpu.memory_space<vmem>>, vector<16xf32>,
          %parallel_loop3A_396 = arith.mulf %parallel_loop3A_392, %parallel_loop3A_395 : vector<16xf32>
          %parallel_loop3A_397 = arith.index_cast %parallel_loop3A_306 : i32 to index
          %parallel_loop3A_398 = arith.constant 112 : index
          %parallel_loop3A_399 = tpu.vector_load %arg32[%parallel_loop3A_397, %parallel_loop3A_398] {strides = array<i32>} : memref<16x128xf32, #tpu.memory_space<vmem>>, vector<16xf32>,
          %parallel_loop3A_400 = arith.mulf %parallel_loop3A_396, %parallel_loop3A_399 : vector<16xf32>
          %parallel_loop3A_401 = arith.addf %parallel_loop3A_389, %parallel_loop3A_400 : vector<16xf32>
          %parallel_loop3A_402 = arith.index_cast %parallel_loop3A_306 : i32 to index
          %parallel_loop3A_403 = arith.constant 0 : index
          %parallel_loop3A_404 = tpu.vector_load %arg33[%parallel_loop3A_402, %parallel_loop3A_403] {strides = array<i32>} : memref<16x16xf32, #tpu.memory_space<vmem>>, vector<16xf32>,
          tpu.vector_store %arg33[%parallel_loop3A_402, %parallel_loop3A_403], %parallel_loop3A_401 {strides = array<i32>} : memref<16x16xf32, #tpu.memory_space<vmem>>, vector<16xf32>,
        } {sc.loop_unroll_factor = 4 : i64, sc.parallel_access}
        %parallel_loop3A_273 = arith.constant 0 : i32
        %parallel_loop3A_274 = arith.constant 8 : i32
        %parallel_loop3A_275 = arith.constant 1 : i32
        %parallel_loop3A_276:3 = scf.for %parallel_loop3A_306 = %parallel_loop3A_273 to %parallel_loop3A_274 step %parallel_loop3A_275 iter_args(%parallel_loop3A_307 = %broadcast_in_dim3A_7, %parallel_loop3A_308 = %broadcast_in_dim3A_7, %parallel_loop3A_309 = %broadcast_in_dim3A_5) -> (vector<16xf32>, vector<16xf32>, vector<16xi32>)  : i32 {
          %parallel_loop3A_310 = tpu.vector_load_idx %arg33[%iota3A, %parallel_loop3A_309] : memref<16x16xf32, #tpu.memory_space<vmem>>[vector<16xi32>, vector<16xi32>], vector<16xf32>,
          %parallel_loop3A_311 = arith.addi %parallel_loop3A_309, %broadcast_in_dim3A_3 : vector<16xi32>
          %parallel_loop3A_312 = tpu.vector_load_idx %arg33[%iota3A, %parallel_loop3A_311] : memref<16x16xf32, #tpu.memory_space<vmem>>[vector<16xi32>, vector<16xi32>], vector<16xf32>,
          %parallel_loop3A_313 = arith.addf %parallel_loop3A_307, %parallel_loop3A_310 : vector<16xf32>
          %parallel_loop3A_314 = arith.addf %parallel_loop3A_308, %parallel_loop3A_312 : vector<16xf32>
          %parallel_loop3A_315 = arith.addi %parallel_loop3A_309, %broadcast_in_dim3A_3 : vector<16xi32>
          %parallel_loop3A_316 = arith.addi %parallel_loop3A_315, %broadcast_in_dim3A_3 : vector<16xi32>
          scf.yield %parallel_loop3A_313, %parallel_loop3A_314, %parallel_loop3A_316 : vector<16xf32>, vector<16xf32>, vector<16xi32>
        } {sc.loop_unroll_factor = 4 : i64, sc.parallel_access}
        %add3A_277 = arith.addf %parallel_loop3A_276#0, %parallel_loop3A_276#1 : vector<16xf32>
        %ge3A_278 = arith.cmpi sge, %multiple_of3A_269, %mul3A_36 : i32
        %jit3A_279 = arith.constant 1 : i32
        %jit3A_280 = arith.constant 0 : i32
        %select_n3A_281 = arith.select %ge3A_278, %jit3A_279, %jit3A_280 : i32
        %ge3A_282 = arith.cmpi sge, %multiple_of3A_269, %add3A_65 : i32
        %jit3A_283 = arith.constant 1 : i32
        %jit3A_284 = arith.constant 0 : i32
        %select_n3A_285 = arith.select %ge3A_282, %jit3A_283, %jit3A_284 : i32
        %add3A_286 = arith.addi %select_n3A_281, %select_n3A_285 : i32
        %ge3A_287 = arith.cmpi sge, %multiple_of3A_269, %add3A_94 : i32
        %jit3A_288 = arith.constant 1 : i32
        %jit3A_289 = arith.constant 0 : i32
        %select_n3A_290 = arith.select %ge3A_287, %jit3A_288, %jit3A_289 : i32
        %add3A_291 = arith.addi %add3A_286, %select_n3A_290 : i32
        %eq3A_292 = arith.constant 0 : i32
        %eq3A_293 = arith.cmpi eq, %add3A_291, %eq3A_292 : i32
        %eq3A_294 = arith.constant 1 : i32
        %eq3A_295 = arith.cmpi eq, %add3A_291, %eq3A_294 : i32
        %eq3A_296 = arith.constant 2 : i32
        %eq3A_297 = arith.cmpi eq, %add3A_291, %eq3A_296 : i32
        %select_n3A_298 = arith.select %eq3A_297, %add3A_125, %add3A_126 : i32
        %select_n3A_299 = arith.select %eq3A_295, %add3A_124, %select_n3A_298 : i32
        %select_n3A_300 = arith.select %eq3A_293, %scan3A_15#0, %select_n3A_299 : i32
        %sub3A_301 = arith.subi %select_n3A_300, %multiple_of3A_269 : i32
        %lt3A_302 = vector.broadcast %sub3A_301 : i32 to vector<16xi32>
        %lt3A_303 = arith.cmpi slt, %iota3A, %lt3A_302 : vector<16xi32>
        %get3A_304 = arith.index_cast %multiple_of3A_269 : i32 to index
        %get3A_305 = tpu.vector_load %arg26[%get3A_304] {strides = array<i32>} : memref<576xi32, #tpu.memory_space<vmem>>, vector<16xi32>,
        tpu.vector_store_idx %arg34[%get3A_305], %add3A_277 masked %lt3A_303 : memref<512xf32, #tpu.memory_space<vmem>>[vector<16xi32>], vector<16xf32>, vector<16xi1>
      } else {
      }
      scf.yield %add3A_196 : i32
    }
    "tpu.region"() ({
      %run_scoped3A = tpu.sem_alloc : memref<!tpu.dma_semaphore, #tpu.memory_space<semaphore_mem>>
      %dma_start3A = tpu.memref_slice %arg18[%mul3A_2] : memref<16384xf32, #tpu.memory_space<hbm>> -> memref<512xf32, #tpu.memory_space<hbm>>
      %dma_start3A_192 = tpu.memref_slice %arg18[%mul3A_2] : memref<16384xf32, #tpu.memory_space<hbm>> -> memref<512xf32, #tpu.memory_space<hbm>>
      tpu.enqueue_dma source(%arg34 : memref<512xf32, #tpu.memory_space<vmem>>) target(%dma_start3A_192 : memref<512xf32, #tpu.memory_space<hbm>>) target_semaphore(%run_scoped3A : memref<!tpu.dma_semaphore, #tpu.memory_space<semaphore_mem>>)
      %dma_wait3A = tpu.memref_slice %arg18[%mul3A_2] : memref<16384xf32, #tpu.memory_space<hbm>> -> memref<512xf32, #tpu.memory_space<hbm>>
      %dma_wait3A_193 = tpu.memref_slice %arg18[%mul3A_2] : memref<16384xf32, #tpu.memory_space<hbm>> -> memref<512xf32, #tpu.memory_space<hbm>>
      tpu.wait_dma2 semaphore(%run_scoped3A : memref<!tpu.dma_semaphore, #tpu.memory_space<semaphore_mem>>) src(%arg34 : memref<512xf32, #tpu.memory_space<vmem>>) dst(%dma_wait3A_193 : memref<512xf32, #tpu.memory_space<hbm>>)
      tpu.yield
    }) : () -> ()
    return
  }
}

</mosaic_0001>

<sc_bundles>
// kernel: kernel.3.cloned.1.call-start
scs
__scs_entry_jumppad:
0x0: {  	(pc) =	sbr.rel $0x88, $3  }
0x1: {  	(tag) =	ssettag $0x0;
	lr =	simm.s32 $0x1  }
0x2: {  	[smem:$0x3F91] =	sst lr;
	_ =	strace $0xD0000000  }
0x3: {  	_ = 	snop  }
0x4: {  	_ = 	snop  }
0x5: {  	_ = 	snop  }
0x6: {  	_ = 	snop  }
0x7: {  	_ = 	snop  }
__scs_overlays_trampoline_lowered:
0x8: {  	[smem:$0x3FA0] =	sst s0  }
0x9: {  	[smem:$0x3FA1] =	sst s1  }
0xa: {  	[smem:$0x3FA2] =	sst s2  }
0xb: {  	[smem:$0x3FA3] =	sst s3  }
0xc: {  	[smem:$0x3FA4] =	sst s4  }
0xd: {  	[smem:$0x3FA5] =	sst s5  }
0xe: {  	[smem:$0x3FA6] =	sst s6  }
0xf: {  	[smem:$0x3FA7] =	sst s7  }
0x10: {  	[smem:$0x3FA8] =	sst s8  }
0x11: {  	[smem:$0x3FA9] =	sst s9;
	s0 =	simm.s32 @!p0 $0x0  }
0x12: {  	s1 =	sld [smem:$0x3F8F];
	s0 =	simm.s32 @p0 $0x1  }
0x13: {  	[smem:$0x3FAA] =	sst s0;
	s0 =	simm.s32 @!p1 $0x0  }
0x14: {  	s2 =	sld [smem:$0x3F8E];
	s0 =	simm.s32 @p1 $0x1  }
0x15: {  	[smem:$0x3FAB] =	sst s0;
	s0 =	simm.s32 @!p2 $0x0  }
0x16: {  	s3 =	sld [smem:$0x3FDB];
	s0 =	simm.s32 @p2 $0x1  }
0x17: {  	s4 =	simm.s32 $0x1BF5;
	[smem:$0x3FAD] =	sst s0  }
0x18: {  	s0 =	sld [smem:$0x3F90];
	_ =	swait.ge [sflag:s4], $0x0  }
0x19: {  	s7 =	sld [smem:$0x3F91]  }
0x1a: {  	s8 =	sadd.s32 $0xFFFFE003, lr  }
0x1b: {  	s9 =	sadd.s32 $0xFFFFFEF7, lr;
	s5 =	simm.s32 $0xFFFFFFFF;
	p2 =	slt.u32 s8, $0xFFFFF086  }
0x1c: {  	p1 =	slt.u32 s9, $0xF7A;
	s5 =	simm.s32 @!p2 $0x0  }
0x1d: {  	s5 =	simm.s32 @p1 $0x1;
	p0 =	seq.s32 s7, s2  }
0x1e: {  	s7 =	smul.u32 @!p0 $0xF7A, s2;
	p2 =	seq.s32 @!p0 s5, $0x0  }
0x1f: {  	s9 =	smul.u32 $0xF7A, s1;
	s8 =	simm.s32 @!p0 $0x1BF5;
	p2 =	por !p2, p0  }
0x20: {  	[sflag:s8] =	ssyncset.s32 @!p0 $0xFFFFF086;
	s6 =	sadd.s32 @!p0 s3, s7;
	s7 =	simm.s32 @!p0 $0x108  }
0x21: {  	s3 =	sadd.s32 s3, s9;
	s6 =	sadd.s32 @!p0 $0x88, s6;
	s7 =	simm.s32 @p2 $0x1082  }
0x22: {  	[simem:s7], [sflag:s8] =	dma.local @!p0 [hbm:s6], $0xF7A  }
0x23: {  	s9 =	sor.u32 $0xD0000000, s2;
	s6 =	simm.s32 $0x108;
	_ =	swait.ge @!p0 [sflag:s8], $0x0  }
0x24: {  	s3 =	sadd.s32 $0x88, s3;
	s6 =	simm.s32 @!p1 $0x1082;
	[sflag:s4] =	ssyncset.s32 $0xFFFFF086  }
0x25: {  	[simem:s6], [sflag:s4] =	dma.local [hbm:s3], $0xF7A  }
0x26: {  	[smem:$0x3F91] =	sst s1;
	(tag) =	ssettag s2;
	_ =	strace s9  }
0x27: {  	s1 =	sld [smem:$0x3FA1]  }
0x28: {  	s2 =	sld [smem:$0x3FA2]  }
0x29: {  	s4 =	sld [smem:$0x3FA4]  }
0x2a: {  	p0 =	seq.s32 s5, $0x0;
	s5 =	sld [smem:$0x3FA5]  }
0x2b: {  	s6 =	sld [smem:$0x3FA6]  }
0x2c: {  	s7 =	sld [smem:$0x3FA7]  }
0x2d: {  	s3 =	simm.s32 $0x108;
	s8 =	sld [smem:$0x3FA8]  }
0x2e: {  	s3 =	simm.s32 @!p0 $0x1082;
	s9 =	sld [smem:$0x3FA9]  }
0x2f: {  	lr =	sadd.s32 s0, s3;
	s0 =	sld [smem:$0x3FA0]  }
0x30: {  	s3 =	sld [smem:$0x3FA3]  }
0x31: {  	[smem:$0x3FAC] =	sst s10  }
0x32: {  	s10 =	sld [smem:$0x3FAA];
	_ =	sdelay $0x3  }
0x33: {  	p0 =	seq.s32 s10, $0x1;
	s10 =	sld [smem:$0x3FAC];
	_ =	sdelay $0x3  }
0x34: {  	[smem:$0x3FAC] =	sst s10  }
0x35: {  	s10 =	sld [smem:$0x3FAB];
	_ =	sdelay $0x3  }
0x36: {  	p1 =	seq.s32 s10, $0x1;
	s10 =	sld [smem:$0x3FAC];
	_ =	sdelay $0x3  }
0x37: {  	[smem:$0x3FAC] =	sst s10  }
0x38: {  	s10 =	sld [smem:$0x3FAD]  }
0x39: {  	_ = 	snop;
	(pc) =	sbr.ind lr, $3  }
0x3a: {  	_ = 	snop  }
0x3b: {  	_ = 	snop  }
0x3c: {  	p2 =	seq.s32 s10, $0x1;
	s10 =	sld [smem:$0x3FAC]  }
0x3d: {  	_ =	shalt  }
0x3e: {  	_ =	shalt  }
0x3f: {  	_ =	shalt  }
0x40: {  	_ =	shalt  }
0x41: {  	_ =	shalt  }
0x42: {  	_ =	shalt  }
0x43: {  	_ =	shalt  }
0x44: {  	_ =	shalt  }
0x45: {  	_ =	shalt  }
0x46: {  	_ =	shalt  }
0x47: {  	_ =	shalt  }
0x48: {  	_ =	shalt  }
0x49: {  	_ =	shalt  }
0x4a: {  	_ =	shalt  }
0x4b: {  	_ =	shalt  }
0x4c: {  	_ =	shalt  }
0x4d: {  	_ =	shalt  }
0x4e: {  	_ =	shalt  }
0x4f: {  	_ =	shalt  }
0x50: {  	_ =	shalt  }
0x51: {  	_ =	shalt  }
0x52: {  	_ =	shalt  }
0x53: {  	_ =	shalt  }
0x54: {  	_ =	shalt  }
0x55: {  	_ =	shalt  }
0x56: {  	_ =	shalt  }
0x57: {  	_ =	shalt  }
0x58: {  	_ =	shalt  }
0x59: {  	_ =	shalt  }
0x5a: {  	_ =	shalt  }
0x5b: {  	_ =	shalt  }
0x5c: {  	_ =	shalt  }
0x5d: {  	_ =	shalt  }
0x5e: {  	_ =	shalt  }
0x5f: {  	_ =	shalt  }
0x60: {  	_ =	shalt  }
0x61: {  	_ =	shalt  }
0x62: {  	_ =	shalt  }
0x63: {  	_ =	shalt  }
0x64: {  	_ =	shalt  }
0x65: {  	_ =	shalt  }
0x66: {  	_ =	shalt  }
0x67: {  	_ =	shalt  }
0x68: {  	_ =	shalt  }
0x69: {  	_ =	shalt  }
0x6a: {  	_ =	shalt  }
0x6b: {  	_ =	shalt  }
0x6c: {  	_ =	shalt  }
0x6d: {  	_ =	shalt  }
0x6e: {  	_ =	shalt  }
0x6f: {  	_ =	shalt  }
0x70: {  	_ =	shalt  }
0x71: {  	_ =	shalt  }
0x72: {  	_ =	shalt  }
0x73: {  	_ =	shalt  }
0x74: {  	_ =	shalt  }
0x75: {  	_ =	shalt  }
0x76: {  	_ =	shalt  }
0x77: {  	_ =	shalt  }
0x78: {  	_ =	shalt  }
0x79: {  	_ =	shalt  }
0x7a: {  	_ =	shalt  }
0x7b: {  	_ =	shalt  }
0x7c: {  	_ =	shalt  }
0x7d: {  	_ =	shalt  }
0x7e: {  	_ =	shalt  }
0x7f: {  	_ =	shalt  }
0x80: {  	_ =	shalt  }
0x81: {  	_ =	shalt  }
0x82: {  	_ =	shalt  }
0x83: {  	_ =	shalt  }
0x84: {  	_ =	shalt  }
0x85: {  	_ =	shalt  }
0x86: {  	_ =	shalt  }
0x87: {  	_ =	shalt  }
.Lfunc_end0:
.L_simem_size_0:
called_computation_lowered:
.L_overlay_start_0:
0x88: {  	s2 =	sld [smem:$0x3FD9]  }
0x89: {  	s3 =	sld [smem:$0x3FFE];
	_ =	sdelay $0x1  }
0x8a: {  	s1 =	srdreg.scid  }
0x8b: {  	s0 =	sand.u32 $0x1, s1  }
0x8c: {  	s23 =	sshll.u32 s0, $0xA;
	s2 =	sadd.s32 s3, s2  }
0x8d: {  	s2 =	sadd.s32 s2, s23  }
0x8e: {  	[smem:$0x3FB8] =	sst s2  }
0x8f: {  	_ = 	snop  }
0x90: {  	s2 =	sld [smem:$0x3FC9]  }
0x91: {  	s3 =	sld [smem:$0x3FC8]  }
0x92: {  	s4 =	sld [smem:$0x3FC7]  }
0x93: {  	s5 =	sld [smem:$0x3FC6]  }
0x94: {  	s6 =	sld [smem:$0x3FC5]  }
0x95: {  	s7 =	sld [smem:$0x3FC4]  }
0x96: {  	s8 =	sld [smem:$0x3FC3]  }
0x97: {  	s9 =	sld [smem:$0x3FC2]  }
0x98: {  	s10 =	sld [smem:$0x3FC1]  }
0x99: {  	s11 =	sld [smem:$0x3FC0]  }
0x9a: {  	s12 =	sld [smem:$0x3FBF]  }
0x9b: {  	s13 =	sld [smem:$0x3FBE]  }
0x9c: {  	s14 =	sld [smem:$0x3FBD]  }
0x9d: {  	s15 =	sld [smem:$0x3FBC]  }
0x9e: {  	s17 =	sld [smem:$0x3FBB]  }
0x9f: {  	s18 =	sld [smem:$0x3FBA]  }
0xa0: {  	s19 =	sld [smem:$0x3FD0];
	(tm) =	ssettm $0x1  }
0xa1: {  	s16 =	sld [smem:$0x3FFB];
	_ =	sdelay $0x3  }
0xa2: {  	_ =	strace s16  }
0xa3: {  	s16 =	sld [smem:$0x3FFC];
	_ =	sdelay $0x3  }
0xa4: {  	_ =	strace s16  }
0xa5: {  	s16 =	sld [smem:$0x3FFD];
	_ =	sdelay $0x3  }
0xa6: {  	_ =	strace s16  }
0xa7: {  	_ =	strace $0x8FFFFFFF  }
0xa8: {  	s24 =	sld [smem:$0x3FDB];
	_ =	sdelay $0x1  }
0xa9: {  	s20 =	simm.s32 $_scs_section_size  }
0xaa: {  	s21 =	simm.s32 $_size__tile_task_arg_handler_lowered;
	s22 =	simm.s32 $_tile_task_arg_handler_lowered  }
0xab: {  	s28 =	simm.s32 $0x1BFF;
	s26 =	sshll.u32 s22, $0x1;
	s20 =	sadd.s32 s20, s24  }
0xac: {  	s25 =	sshll.u32 s21, $0x1;
	s23 =	simm.s32 $0x60;
	s21 =	sadd.s32 s26, s20  }
0xad: {  	[timem:s23], [sflag:s28] =	dma.local [hbm:s21], s25  }
0xae: {  	_ =	swait.ge [sflag:s28], s25  }
0xaf: {  	s29 =	simm.s32 $_tile_overlayer_lowered;
	s16 =	ssub.s32 $0x0, s25;
	[sflag:s28] =	ssyncset.done $0x0  }
0xb0: {  	s30 =	simm.s32 $_size__tile_overlayer_lowered;
	s21 =	sshll.u32 s29, $0x1;
	[sflag:s28] =	ssyncadd.s32 s16  }
0xb1: {  	s31 =	sshll.u32 s30, $0x1;
	s21 =	sadd.s32 s21, s20;
	s16 =	simm.s32 $0x0  }
0xb2: {  	[timem:s16], [sflag:s28] =	dma.local [hbm:s21], s31  }
0xb3: {  	_ =	swait.ge [sflag:s28], s31  }
0xb4: {  	s23 =	ssub.s32 $0x0, s31;
	[sflag:s28] =	ssyncset.done $0x0  }
0xb5: {  	[sflag:s28] =	ssyncadd.s32 s23;
	_ =	sdelay $0x1  }
0xb6: {  	s24 =	simm.s32 $0x1B8B  }
0xb7: {  	_ =	swait.ge [sflag:s24], $0x1  }
0xb8: {  	[sflag:s24] =	ssyncset.done $0x0  }
0xb9: {  	s25 =	simm.s32 $0x1B8E;
	[sflag:s24] =	ssyncadd.s32 $0xFFFFFFFF  }
0xba: {  	s26 =	simm.s32 $execute0_lowered;
	[smem:$0x3FD2] =	sst s25  }
0xbb: {  	s21 =	sshll.u32 s26, $0x1;
	_ =	strace $0x80000046;
	[dreg:$0x1] =	wrdreg $0xFFFFFFFF  }
0xbc: {  	s20 =	sadd.s32 s20, s21;
	s28 =	simm.s32 $_size_execute0_lowered;
	[dreg:$0x0] =	wrdreg $0x0  }
0xbd: {  	s21 =	sshll.u32 s28, $0x1;
	[dreg:$0x2] =	wrdreg s20  }
0xbe: {  	[dreg:$0x3] =	wrdreg s21  }
0xbf: {  	[dreg:$0x4] =	wrdreg $0xC0  }
0xc0: {  	_ =	task [dreg:s16], $0x5FFFF  }
0xc1: {  	[dreg:$0x1] =	wrdreg $0xFFFFFFFF  }
0xc2: {  	[dreg:$0x0] =	wrdreg $0x30  }
0xc3: {  	[dreg:$0x2] =	wrdreg $0x0  }
0xc4: {  	[dreg:$0x3] =	wrdreg s17  }
0xc5: {  	[dreg:$0x4] =	wrdreg s18  }
0xc6: {  	[dreg:$0x5] =	wrdreg s19  }
0xc7: {  	[dreg:$0x6] =	wrdreg $0x9  }
0xc8: {  	_ =	task [dreg:s16], $0x7FFFF  }
0xc9: {  	[dreg:$0x1] =	wrdreg $0xFFFFFFFF  }
0xca: {  	[dreg:$0x0] =	wrdreg $0x60  }
0xcb: {  	[dreg:$0x2] =	wrdreg s2  }
0xcc: {  	[dreg:$0x3] =	wrdreg s3  }
0xcd: {  	[dreg:$0x4] =	wrdreg s4  }
0xce: {  	[dreg:$0x5] =	wrdreg s5  }
0xcf: {  	[dreg:$0x6] =	wrdreg s6  }
0xd0: {  	[dreg:$0x7] =	wrdreg s7  }
0xd1: {  	[dreg:$0x8] =	wrdreg s8  }
0xd2: {  	[dreg:$0x9] =	wrdreg s9  }
0xd3: {  	[dreg:$0xa] =	wrdreg s10  }
0xd4: {  	[dreg:$0xb] =	wrdreg s11  }
0xd5: {  	[dreg:$0xc] =	wrdreg s12  }
0xd6: {  	[dreg:$0xd] =	wrdreg s13  }
0xd7: {  	[dreg:$0xe] =	wrdreg s14  }
0xd8: {  	[dreg:$0xf] =	wrdreg s15  }
0xd9: {  	_ =	task.clear_ibuf [dreg:s16], $0x10FFFF;
	_ =	strace $0x90000046  }
0xda: {  	s29 =	simm.s32 $0x9;
	_ =	strace $0x80000048  }
0xdb: {  	_ =	swait.ge [sflag:s29], $0x1  }
0xdc: {  	[sflag:s29] =	ssyncadd.s32 $0xFFFFFFFF  }
0xdd: {  	_ =	strace $0x90000048  }
0xde: {  	_ =	sfence  }
0xdf: {  	s30 =	sld [smem:$0x0];
	_ =	sdelay $0x2  }
0xe0: {  	s31 =	sshll.u32 s1, $0xD;
	s1 =	sshrl.u32 s1, $0x2  }
0xe1: {  	s3 =	sand.u32 $0x4000, s31;
	s1 =	sadd.s32 s1, s30  }
0xe2: {  	s0 =	sor.u32 s3, s0;
	s1 =	sshll.u32 s1, $0x11  }
0xe3: {  	s0 =	sor.u32 s1, s0  }
0xe4: {  	s0 =	sadd.s32 $0x8F2B, s0  }
0xe5: {  	[sflag:s0] =	ssyncadd.remote.s32 $0x1  }
0xe6: {  	_ =	sfence.sel $0xFFFF  }
0xe7: {  	[dreg:$0x0] =	wrdreg $0xFFFFFFFF;
	(pc) =	sbr.abs _section_cstart, $3  }
0xe8: {  	[dreg:$0x1] =	wrdreg $0xFFFFFFFF  }
0xe9: {  	_ =	task.clear_ibuf [dreg:s16], $0x2FFFF;
	_ =	strace $0x9FFFFFFF  }
0xea: {  	(tm) =	ssettm $0x7FFFFFFF  }
0xeb: {  	_ =	shalt  }
tec
_tile_task_arg_handler_lowered:
.L_overlay_start_1:
0x0: {  	(tag) =	ssettag $0x1  }
0x1: {  	s0 =	rddreg [dreg:$0x0]  }
0x2: {  	s1 =	rddreg [dreg:$0x1]  }
0x3: {  	s2 =	rddreg [dreg:$0x2]  }
0x4: {  	s3 =	rddreg [dreg:$0x3]  }
0x5: {  	s4 =	rddreg [dreg:$0x4]  }
0x6: {  	s5 =	rddreg [dreg:$0x5]  }
0x7: {  	s6 =	rddreg [dreg:$0x6]  }
0x8: {  	s7 =	rddreg [dreg:$0x7]  }
0x9: {  	s8 =	rddreg [dreg:$0x8]  }
0xa: {  	s9 =	rddreg [dreg:$0x9]  }
0xb: {  	s10 =	rddreg [dreg:$0xa]  }
0xc: {  	s11 =	rddreg [dreg:$0xb]  }
0xd: {  	s12 =	rddreg [dreg:$0xc]  }
0xe: {  	s13 =	rddreg [dreg:$0xd]  }
0xf: {  	[smem:s0] =	sst s1  }
0x10: {  	[smem:s0+$0x1] =	sst s2  }
0x11: {  	[smem:s0+$0x2] =	sst s3  }
0x12: {  	[smem:s0+$0x3] =	sst s4  }
0x13: {  	[smem:s0+$0x4] =	sst s5  }
0x14: {  	[smem:s0+$0x5] =	sst s6  }
0x15: {  	[smem:s0+$0x6] =	sst s7  }
0x16: {  	[smem:s0+$0x7] =	sst s8  }
0x17: {  	[smem:s0+$0x8] =	sst s9  }
0x18: {  	[smem:s0+$0x9] =	sst s10  }
0x19: {  	[smem:s0+$0xA] =	sst s11  }
0x1a: {  	[smem:s0+$0xB] =	sst s12  }
0x1b: {  	[smem:s0+$0xC] =	sst s13;
	_ =	shalt  }
.Lfunc_end2:
execute0_lowered:
.L_overlay_start_2:
0x1c: {  	(tag) =	ssettag $0x2  }
0x1d: {  	s0 =	rddreg [dreg:$0x0]  }
0x1e: {  	s1 =	rddreg [dreg:$0x1]  }
0x1f: {  	s2 =	rddreg [dreg:$0x2]  }
0x20: {  	s3 =	rddreg [dreg:$0x3];
	s8 =	simm.s32 $0x0;
	s4 =	srdreg.scid  }
0x21: {  	s9 =	stileid.u32;
	[smem:$0x7FF] =	sst s8  }
0x22: {  	s28 =	simm.s32 $0xA80;
	s29 =	simm.s32 $0xD00;
	s12 =	sld [smem:$0x0]  }
0x23: {  	s4 =	sand.u32 $0x1, s4;
	s10 =	sshll.u32 s9, $0x7;
	s6 =	sld [smem:$0x3]  }
0x24: {  	s13 =	sld [smem:$0x1];
	s22 =	ssub.s32 $0x2, s4;
	s4 =	sshll.u32 s4, $0x6  }
0x25: {  	s30 =	simm.s32 $0xF80;
	s5 =	sld [smem:$0x2];
	s4 =	sor.u32 s4, s10  }
0x26: {  	s14 =	simm.s32 $0x4200;
	s0 =	sadd.s32 s0, s4;
	[dreg:$0xe] =	wrdreg s6  }
0x27: {  	s23 =	sadd.s32 s1, s4;
	_ =	strace $0x80000047;
	[dreg:$0xf] =	wrdreg s0  }
0x28: {  	s7 =	sshrl.u32 s22, $0x1;
	s24 =	sadd.s32 s2, s4;
	[dreg:$0x10] =	wrdreg s23  }
.Ltmp0:
0x29: {  	s25 =	sadd.s32 s3, s4;
	[dreg:$0x11] =	wrdreg s24;
	(pc) =	sbr.rel .LBB3_1-.Ltmp0, $4  }
0x2a: {  	s1 =	simm.s32 $0x7;
	s26 =	sadd.s32 s5, s4;
	[dreg:$0x12] =	wrdreg s25  }
0x2b: {  	s2 =	simm.s32 $0x0;
	s6 =	ssub.s32 s22, s7;
	[dreg:$0x13] =	wrdreg s26  }
0x2c: {  	v14 =	vlaneseq.u32;
	s31 =	smax.u32 s6, $0x1;
	s25 =	simm.s32 $0x1;
	s26 =	simm.s32 $0x800  }
0x2d: {  	v1 =	vimm.s32 $0x0;
	v2 =	vmul.u32 $0x80, v14;
	s23 =	simm.s32 $0x2;
	s24 =	simm.s32 $0x3;
	[dreg:$0x14] =	wrdreg s31  }
.LBB3_17:
0x2e: {  	s8 =	simm.s32 $0x0;
	s0 =	rddreg [dreg:$0x13];
	s1 =	simm.s32 $0x4A00  }
0x2f: {  	[hbm4b:s0+s8] =	stream.linear.scatter [tilespmem:s1], [sflag:$0x7], $0x200, $0x38;
	[tilespmem:$0x4C00] =	vst v63  }
0x30: {  	s1 =	simm.s32 $0x7  }
0x31: {  	_ =	swait.ge [sflag:s1], $0x200  }
0x32: {  	s2 =	rddreg [dreg:$0x15]  }
0x33: {  	s31 =	rddreg [dreg:$0x14];
	s2 =	sadd.s32 $0x1, s2  }
0x34: {  	p0 =	sne.s32 s2, s31  }
.Ltmp1:
0x35: {  	_ = 	snop;
	(pc) =	sbr.rel @!p0 .LBB3_18-.Ltmp1, $3  }
0x36: {  	_ =	sdelay $0x1  }
0x37: {  	[sflag:s1] =	ssyncset.done $0x0  }
0x38: {  	[sflag:s1] =	ssyncadd.s32 $0xFFFFFE00  }
.LBB3_1:
0x39: {  	[dreg:$0x15] =	wrdreg s2  }
0x3a: {  	s0 =	rddreg [dreg:$0xf]  }
0x3b: {  	[tilespmem:s8], [sflag:$0x7] =	stream.linear.gather [hbm4b:s0+s8], $0x200, $0x38;
	[tilespmem:$0x4C00] =	vst v63  }
0x3c: {  	_ =	swait.ge [sflag:s1], $0x200  }
0x3d: {  	[sflag:s1] =	ssyncset.done $0x0  }
0x3e: {  	s9 =	simm.s32 $0x200;
	s7 =	rddreg [dreg:$0x10];
	[sflag:s1] =	ssyncadd.s32 $0xFFFFFE00  }
0x3f: {  	[tilespmem:s9], [sflag:$0x7] =	stream.linear.gather [hbm4b:s7+s8], $0x200, $0x38;
	[tilespmem:$0x4C00] =	vst v63  }
0x40: {  	_ =	swait.ge [sflag:s1], $0x200  }
0x41: {  	[sflag:s1] =	ssyncset.done $0x0  }
0x42: {  	s11 =	simm.s32 $0x400;
	s10 =	rddreg [dreg:$0x11];
	[sflag:s1] =	ssyncadd.s32 $0xFFFFFE00  }
0x43: {  	[tilespmem:s11], [sflag:$0x7] =	stream.linear.gather [hbm4b:s10+s8], $0x200, $0x38;
	[tilespmem:$0x4C00] =	vst v63  }
0x44: {  	_ =	swait.ge [sflag:s1], $0x200  }
0x45: {  	[sflag:s1] =	ssyncset.done $0x0  }
0x46: {  	s16 =	simm.s32 $0x600;
	s15 =	rddreg [dreg:$0x12];
	[sflag:s1] =	ssyncadd.s32 $0xFFFFFE00  }
0x47: {  	[tilespmem:s16], [sflag:$0x7] =	stream.linear.gather [hbm4b:s15+s8], $0x200, $0x38;
	[tilespmem:$0x4C00] =	vst v63  }
0x48: {  	_ =	swait.ge [sflag:s1], $0x200  }
0x49: {  	[sflag:s1] =	ssyncset.done $0x0  }
0x4a: {  	s17 =	simm.s32 $0x0;
	[sflag:s1] =	ssyncadd.s32 $0xFFFFFE00  }
0x4b: {  	v3 =	vld [tilespmem:s17+$0x600];
	_ =	sdelay $0x4  }
0x4c: {  	vm0 =	veq.s32 v3, $0x3  }
0x4d: {  	vm1 =	veq.s32 v3, $0x0;
	v4 =	vsel vm0, $0x1, v1  }
0x4e: {  	s18 =	simm.s32 $0x10;
	v5 =	vsel vm1, $0x1, v1;
	(xrf0) =	vadd.scan.msk.s32 $0xffff, v4  }
0x4f: {  	vm10 =	veq.s32 v3, $0x1;
	(xrf0) =	vadd.scan.msk.s32 $0xffff, v5;
	v5 =	vld [tilespmem:s18+$0x600]  }
0x50: {  	v4 =	vsel vm10, $0x1, v1  }
0x51: {  	s19 =	simm.s32 $0x20;
	(xrf0) =	vadd.scan.msk.s32 $0xffff, v4  }
0x52: {  	vm11 =	veq.s32 v3, $0x2;
	v3 =	vld [tilespmem:s19+$0x600];
	_ =	sdelay $0x1  }
0x53: {  	v6 =	vsel vm11, $0x1, v1;
	v4, _, _ =	vpop (xrf0);
	vm12 =	veq.s32 v5, $0x3  }
0x54: {  	vm13 =	veq.s32 v5, $0x0;
	v7, _, _ =	vpop (xrf0);
	(v2sf) =	vpush v4, $0xF;
	(xrf0) =	vadd.scan.msk.s32 $0xffff, v6;
	v4 =	vsel vm12, $0x1, v1  }
0x55: {  	vm14 =	veq.s32 v5, $0x1;
	(v2sf) =	vpush v7, $0xF;
	v7 =	vsel vm13, $0x1, v1;
	(xrf0) =	vadd.scan.msk.s32 $0xffff, v4  }
0x56: {  	s20 =	simm.s32 $0x30;
	vm4 =	veq.s32 v3, $0x3;
	v6, _, _ =	vpop (xrf0);
	v4 =	vsel vm14, $0x1, v1;
	(xrf0) =	vadd.scan.msk.s32 $0xffff, v7  }
0x57: {  	vm15 =	veq.s32 v5, $0x2;
	v5 =	vld [tilespmem:s20+$0x600];
	(v2sf) =	vpush v6, $0xF;
	(xrf0) =	vadd.scan.msk.s32 $0xffff, v4;
	v4 =	vsel vm4, $0x1, v1  }
0x58: {  	v6 =	vsel vm15, $0x1, v1  }
0x59: {  	vm5 =	veq.s32 v3, $0x0;
	vm6 =	veq.s32 v3, $0x1;
	(xrf0) =	vadd.scan.msk.s32 $0xffff, v6  }
0x5a: {  	s21 =	simm.s32 $0x40;
	vm7 =	veq.s32 v3, $0x2;
	v3 =	vsel vm6, $0x1, v1;
	v6 =	vsel vm5, $0x1, v1;
	(xrf0) =	vadd.scan.msk.s32 $0xffff, v4;
	v4, _, _ =	vpop (xrf0)  }
0x5b: {  	(xrf0) =	vadd.scan.msk.s32 $0xffff, v6;
	(v2sf) =	vpush v4, $0xF;
	v4 =	vld [tilespmem:s21+$0x600]  }
0x5c: {  	vm8 =	veq.s32 v5, $0x3;
	vm9 =	veq.s32 v5, $0x0;
	v6 =	vsel vm7, $0x1, v1;
	v7, _, _ =	vpop (xrf0);
	(xrf0) =	vadd.scan.msk.s32 $0xffff, v3  }
0x5d: {  	v3, _, _ =	vpop (xrf0);
	(v2sf) =	vpush v7, $0xF;
	(xrf0) =	vadd.scan.msk.s32 $0xffff, v6;
	v6 =	vsel vm8, $0x1, v1;
	v7 =	vsel vm9, $0x1, v1  }
0x5e: {  	vm10 =	veq.s32 v5, $0x1;
	(v2sf) =	vpush v3, $0xF;
	v3, _, _ =	vpop (xrf0);
	(xrf0) =	vadd.scan.msk.s32 $0xffff, v6  }
0x5f: {  	vm11 =	veq.s32 v5, $0x2;
	v6 =	vsel vm10, $0x1, v1;
	(v2sf) =	vpush v3, $0xF;
	v3, _, _ =	vpop (xrf0);
	(xrf0) =	vadd.scan.msk.s32 $0xffff, v7  }
0x60: {  	v5 =	vsel vm11, $0x1, v1;
	v7, _, _ =	vpop (xrf0);
	(v2sf) =	vpush v3, $0xF;
	(xrf0) =	vadd.scan.msk.s32 $0xffff, v6;
	vm12 =	veq.s32 v4, $0x3  }
0x61: {  	v3, _, _ =	vpop (xrf0);
	(v2sf) =	vpush v7, $0xF;
	(xrf0) =	vadd.scan.msk.s32 $0xffff, v5;
	vm13 =	veq.s32 v4, $0x0;
	v5 =	vsel vm12, $0x1, v1  }
0x62: {  	(v2sf) =	vpush v3, $0xF;
	v3, _, _ =	vpop (xrf0);
	v6 =	vsel vm13, $0x1, v1  }
0x63: {  	(v2sf) =	vpush v3, $0xF;
	v3, _, _ =	vpop (xrf0)  }
0x64: {  	(xrf0) =	vadd.scan.msk.s32 $0xffff, v5;
	s22 =	spop (v2sf);
	(v2sf) =	vpush v3, $0xF;
	v5, _, _ =	vpop (xrf0)  }
0x65: {  	(xrf0) =	vadd.scan.msk.s32 $0xffff, v6;
	s3 =	spop (v2sf);
	v6, _, _ =	vpop (xrf0);
	(v2sf) =	vpush v5, $0xF  }
0x66: {  	s5 =	spop (v2sf);
	(v2sf) =	vpush v6, $0xF;
	_ =	sdelay $0x4  }
0x67: {  	s31 =	simm.s32 $0x50  }
0x68: {  	v3 =	vld [tilespmem:s31+$0x600]  }
0x69: {  	vm14 =	veq.s32 v4, $0x1  }
0x6a: {  	s4 =	simm.s32 $0x180;
	vm15 =	veq.s32 v4, $0x2;
	v7 =	vsel vm14, $0x1, v1;
	s1 =	sadd.s32 $0x0, s22  }
0x6b: {  	v4 =	vsel vm15, $0x1, v1;
	(xrf0) =	vadd.scan.msk.s32 $0xffff, v7;
	s0 =	sadd.s32 $0x0, s3;
	s3 =	simm.s32 $0x0;
	s2 =	sadd.s32 $0x0, s5;
	v5, _, _ =	vpop (xrf0)  }
.LBB3_2:
0x6c: {  	s5 =	sshra.s32 s4, $0x2;
	(xrf0) =	vadd.scan.msk.s32 $0xffff, v4;
	(v2sf) =	vpush v5, $0xF;
	v5, _, _ =	vpop (xrf0);
	s6 =	spop (v2sf);
	p0 =	sne.s32 s4, $0x7C0  }
.Ltmp2:
0x6d: {  	s4 =	sadd.s32 $0x40, s4;
	vm0 =	veq.s32 v3, $0x0;
	vm1 =	veq.s32 v3, $0x1;
	vm2 =	veq.s32 v3, $0x3;
	s7 =	spop (v2sf);
	(pc) =	sbr.rel @p0 .LBB3_2-.Ltmp2, $4  }
0x6e: {  	s3 =	sadd.s32 s3, s6;
	v6 =	vsel vm0, $0x1, v1;
	vm0 =	veq.s32 v3, $0x2;
	v3 =	vld [tilespmem:s5+$0x600];
	v0 =	vsel vm2, $0x1, v1;
	s1 =	sadd.s32 s1, s7;
	s5 =	spop (v2sf)  }
0x6f: {  	v8 =	vsel vm1, $0x1, v1;
	v4 =	vsel vm0, $0x1, v1;
	(xrf0) =	vadd.scan.msk.s32 $0xffff, v0;
	v7, _, _ =	vpop (xrf0);
	(v2sf) =	vpush v5, $0xF;
	s0 =	sadd.s32 s0, s5;
	s5 =	spop (v2sf)  }
0x70: {  	(xrf0) =	vadd.scan.msk.s32 $0xffff, v6;
	v5, _, _ =	vpop (xrf0);
	(v2sf) =	vpush v7, $0xF;
	s2 =	sadd.s32 s2, s5  }
0x71: {  	(xrf0) =	vadd.scan.msk.s32 $0xffff, v8;
	(v2sf) =	vpush v5, $0xF;
	v5, _, _ =	vpop (xrf0)  }
0x72: {  	_ = 	snop  }
0x73: {  	vm0 =	veq.s32 v3, $0x3  }
0x74: {  	(xrf0) =	vadd.scan.msk.s32 $0xffff, v4;
	v4 =	vsel vm0, $0x1, v1;
	_ =	sdelay $0x2  }
0x75: {  	(v2sf) =	vpush v5, $0xF;
	(xrf0) =	vadd.scan.msk.s32 $0xffff, v4;
	v4, _, _ =	vpop (xrf0)  }
0x76: {  	vm1 =	veq.s32 v3, $0x0;
	v5, _, _ =	vpop (xrf0);
	(v2sf) =	vpush v4, $0xF  }
0x77: {  	v6 =	vsel vm1, $0x1, v1;
	v4, _, _ =	vpop (xrf0);
	(v2sf) =	vpush v5, $0xF  }
0x78: {  	vm0 =	veq.s32 v3, $0x1;
	(xrf0) =	vadd.scan.msk.s32 $0xffff, v6;
	(v2sf) =	vpush v4, $0xF;
	v4, _, _ =	vpop (xrf0)  }
0x79: {  	s4 =	spop (v2sf);
	v5 =	vsel vm0, $0x1, v1;
	vm0 =	veq.s32 v3, $0x2;
	(v2sf) =	vpush v4, $0xF;
	v4, _, _ =	vpop (xrf0)  }
0x7a: {  	s11 =	spop (v2sf);
	(xrf0) =	vadd.scan.msk.s32 $0xffff, v5;
	(v2sf) =	vpush v4, $0xF;
	v4 =	vsel vm0, $0x1, v1  }
0x7b: {  	(xrf0) =	vadd.scan.msk.s32 $0xffff, v4;
	_ =	sdelay $0x1  }
0x7c: {  	v5, _, _ =	vpop (xrf0)  }
0x7d: {  	s5 =	spop (v2sf);
	v3, _, _ =	vpop (xrf0);
	(v2sf) =	vpush v5, $0xF  }
0x7e: {  	s6 =	spop (v2sf);
	(v2sf) =	vpush v3, $0xF  }
0x7f: {  	s7 =	spop (v2sf);
	v3, _, _ =	vpop (xrf0)  }
0x80: {  	s5 =	sadd.s32 s0, s5;
	s0 =	simm.s32 $0x600;
	s15 =	spop (v2sf);
	(v2sf) =	vpush v3, $0xF;
	v3, _, _ =	vpop (xrf0)  }
0x81: {  	s10 =	spop (v2sf);
	(v2sf) =	vpush v3, $0xF;
	v3 =	vld [tilespmem:s0+$0x0]  }
0x82: {  	s18 =	spop (v2sf)  }
0x83: {  	s19 =	spop (v2sf)  }
0x84: {  	s16 =	spop (v2sf)  }
0x85: {  	s20 =	spop (v2sf)  }
0x86: {  	s22 =	spop (v2sf);
	vm2 =	veq.s32 v3, $0x0  }
0x87: {  	s31 =	spop (v2sf);
	v4 =	vsel vm2, $0x1, v1  }
0x88: {  	s17 =	spop (v2sf);
	(xrf0) =	vadd.scan.msk.s32 $0xffff, v4  }
0x89: {  	s8 =	spop (v2sf);
	vm1 =	veq.s32 v3, $0x2  }
0x8a: {  	s3 =	sadd.s32 s3, s4;
	vm3 =	veq.s32 v3, $0x1;
	s9 =	spop (v2sf);
	v4 =	vsel vm1, $0x1, v1  }
0x8b: {  	s2 =	sadd.s32 s2, s6;
	s5 =	sadd.s32 s5, s10;
	vm0 =	veq.s32 v3, $0x3;
	s10 =	spop (v2sf);
	(xrf0) =	vadd.scan.msk.s32 $0xffff, v4;
	v4 =	vsel vm3, $0x1, v1  }
0x8c: {  	s3 =	sadd.s32 s3, s7;
	s4 =	sadd.s32 s5, s20;
	v3 =	vsel vm0, $0x1, v1;
	s21 =	spop (v2sf)  }
0x8d: {  	s2 =	sadd.s32 s2, s18;
	s4 =	sadd.s32 s4, s8;
	s8 =	spop (v2sf);
	(xrf0) =	vadd.scan.msk.s32 $0xffff, v3  }
0x8e: {  	s3 =	sadd.s32 s3, s19;
	s2 =	sadd.s32 s2, s22;
	s18 =	sadd.s32 s4, s8;
	(xrf0) =	vadd.scan.msk.s32 $0xffff, v4;
	v4, _, _ =	vpop (xrf0)  }
0x8f: {  	s3 =	sadd.s32 s3, s31;
	s2 =	sadd.s32 s2, s9;
	s4 =	sadd.s32 $0xF, s18;
	(v2sf) =	vpush v4, $0xF  }
0x90: {  	s3 =	sadd.s32 s3, s10;
	s9 =	sand.u32 $0xF, s4;
	s10 =	sshra.s32 s4, $0x1F  }
0x91: {  	p0 =	slt.s32 s4, $0x1;
	s19 =	spop (v2sf);
	p1 =	sne.s32 s9, $0x0  }
0x92: {  	s6 =	sshrl.u32 s10, $0x1C;
	s2 =	sadd.s32 s2, s19;
	s10 =	simm.s32 $0x0  }
0x93: {  	p0 =	por !p0, !p1;
	s4 =	sadd.s32 s6, s4;
	s6 =	simm.s32 $0x1  }
0x94: {  	s22 =	sadd.s32 $0xF, s2;
	p0 =	por !p0, !p0;
	s4 =	sshra.s32 s4, $0x4  }
0x95: {  	s20 =	spop (v2sf);
	s7 =	sand.u32 $0xF, s22;
	s8 =	sshra.s32 s22, $0x1F  }
0x96: {  	p3 =	slt.s32 s22, $0x1;
	s6 =	simm.s32 @!p0 $0x0;
	s3 =	sadd.s32 s3, s20  }
0x97: {  	p4 =	sne.s32 s7, $0x0;
	s9 =	sshrl.u32 s8, $0x1C;
	s20 =	simm.s32 $0x200  }
0x98: {  	v3 =	vsel vm2, $0xFFFFFFFF, v1;
	s4 =	ssub.s32 s4, s6;
	p0 =	por !p3, !p4;
	s5 =	sadd.s32 s9, s22  }
0x99: {  	v3 =	vadd.s32 s10, v3;
	s6 =	simm.s32 $0x1;
	s22 =	simm.s32 $0x400;
	p0 =	por !p0, !p0  }
0x9a: {  	v7 =	vld [tilespmem:s10+$0x0];
	v6 =	vadd.s32 v4, v3;
	s19 =	sshll.u32 s4, $0x4;
	s5 =	sshra.s32 s5, $0x4;
	s6 =	simm.s32 @!p0 $0x0  }
0x9b: {  	v8, _, _ =	vpop (xrf0);
	v4 =	vld [tilespmem:s20+$0x0];
	s20 =	sadd.s32 $0x0, s19;
	s5 =	ssub.s32 s5, s6;
	s6 =	sadd.s32 $0xF, s3  }
0x9c: {  	v5 =	vsel vm3, $0xFFFFFFFF, v1;
	(v2sf) =	vpush v8, $0xF;
	v9, _, _ =	vpop (xrf0);
	v3 =	vld [tilespmem:s22+$0x0];
	s4 =	sadd.s32 s4, s5;
	s9 =	sand.u32 $0xF, s6;
	s22 =	sshra.s32 s6, $0x1F  }
0x9d: {  	v10, _, _ =	vpop (xrf0);
	v5 =	vadd.s32 s20, v5;
	p5 =	slt.s32 s6, $0x1;
	p6 =	sne.s32 s9, $0x0;
	s20 =	sshll.u32 s4, $0x4  }
0x9e: {  	v11 =	vadd.s32 v10, v5;
	s7 =	sshrl.u32 s22, $0x1C;
	p0 =	por !p5, !p6;
	s22 =	spop (v2sf);
	(v2sf) =	vpush v9, $0xF  }
0x9f: {  	[tilespmem:v6+s26+$0x0] =	vst.idx.msk vm2, v7;
	s5 =	sadd.s32 s7, s6;
	s6 =	simm.s32 $0x1;
	p0 =	por !p0, !p0;
	(v2sf) =	vpush v10, $0xF  }
0xa0: {  	v12 =	vsel vm1, $0xFFFFFFFF, v1;
	[tilespmem:v6+s28+$0x0] =	vst.idx.msk vm2, v4;
	s8 =	sadd.s32 $0x0, s20;
	s5 =	sshra.s32 s5, $0x4;
	s6 =	simm.s32 @!p0 $0x0  }
0xa1: {  	v5 =	vor.u32 s10, v14;
	[tilespmem:v6+s29+$0x0] =	vst.idx.msk vm2, v3;
	v12 =	vadd.s32 s8, v12;
	s5 =	ssub.s32 s5, s6  }
0xa2: {  	[tilespmem:v6+s30+$0x0] =	vst.idx.msk vm2, v5;
	v8 =	vadd.s32 v8, v12;
	s4 =	sadd.s32 s4, s5  }
0xa3: {  	[tilespmem:v11+s26+$0x0] =	vst.idx.msk vm3, v7;
	s31 =	sshll.u32 s4, $0x4  }
0xa4: {  	v6 =	vsel vm0, $0xFFFFFFFF, v1;
	[tilespmem:v11+s28+$0x0] =	vst.idx.msk vm3, v4;
	s9 =	sadd.s32 $0x0, s31  }
0xa5: {  	[tilespmem:v11+s29+$0x0] =	vst.idx.msk vm3, v3;
	v6 =	vadd.s32 s9, v6  }
0xa6: {  	s1 =	sadd.s32 s1, s11;
	[tilespmem:v11+s30+$0x0] =	vst.idx.msk vm3, v5;
	v6 =	vadd.s32 v9, v6  }
0xa7: {  	s1 =	sadd.s32 s1, s15;
	[tilespmem:v8+s26+$0x0] =	vst.idx.msk vm1, v7  }
0xa8: {  	s11 =	simm.s32 $0x10;
	s1 =	sadd.s32 s1, s16;
	[tilespmem:v8+s28+$0x0] =	vst.idx.msk vm1, v4  }
0xa9: {  	s16 =	simm.s32 $0x210;
	s1 =	sadd.s32 s1, s17;
	s17 =	simm.s32 $0x410;
	[tilespmem:v8+s29+$0x0] =	vst.idx.msk vm1, v3  }
0xaa: {  	s1 =	sadd.s32 s1, s21;
	s21 =	simm.s32 $0x0;
	s5 =	simm.s32 $0x0;
	[tilespmem:v8+s30+$0x0] =	vst.idx.msk vm1, v5  }
0xab: {  	s15 =	sadd.s32 $0x0, s22;
	s7 =	spop (v2sf);
	s22 =	simm.s32 $0x0;
	[tilespmem:v6+s26+$0x0] =	vst.idx.msk vm0, v7  }
.LBB3_4:
0xac: {  	s0 =	sadd.s32 $0x10, s0  }
0xad: {  	[tilespmem:v6+s28+$0x0] =	vst.idx.msk vm0, v4;
	s10 =	sadd.s32 $0x10, s10;
	s8 =	spop (v2sf);
	s6 =	smov.u32 s11  }
0xae: {  	s21 =	sadd.s32 s21, s7;
	[tilespmem:v6+s29+$0x0] =	vst.idx.msk vm0, v3;
	s22 =	sadd.s32 s22, s8;
	s7 =	spop (v2sf)  }
0xaf: {  	p0 =	sne.s32 s11, $0x1F0;
	s11 =	sadd.s32 $0x10, s11;
	s5 =	sadd.s32 s5, s7;
	[tilespmem:v6+s30+$0x0] =	vst.idx.msk vm0, v5  }
0xb0: {  	v3 =	vld [tilespmem:s0+$0x0];
	_ =	sdelay $0x4  }
0xb1: {  	vm3 =	veq.s32 v3, $0x0  }
0xb2: {  	v4 =	vsel vm3, $0xFFFFFFFF, v1;
	v5 =	vsel vm3, $0x1, v1  }
0xb3: {  	vm2 =	veq.s32 v3, $0x1;
	vm1 =	veq.s32 v3, $0x2;
	vm0 =	veq.s32 v3, $0x3;
	(xrf0) =	vadd.scan.msk.s32 $0xffff, v5  }
0xb4: {  	v3 =	vsel vm2, $0x1, v1;
	v6 =	vsel vm0, $0x1, v1;
	v5 =	vsel vm1, $0x1, v1  }
0xb5: {  	v7 =	vsel vm2, $0xFFFFFFFF, v1;
	v8 =	vsel vm1, $0xFFFFFFFF, v1;
	v9 =	vsel vm0, $0xFFFFFFFF, v1;
	(xrf0) =	vadd.scan.msk.s32 $0xffff, v5  }
0xb6: {  	(xrf0) =	vadd.scan.msk.s32 $0xffff, v6  }
0xb7: {  	(xrf0) =	vadd.scan.msk.s32 $0xffff, v3  }
0xb8: {  	v3 =	vadd.s32 s15, v4  }
0xb9: {  	v10 =	vld [tilespmem:s10+$0x0];
	v5, _, _ =	vpop (xrf0)  }
0xba: {  	v4 =	vld [tilespmem:s16+$0x0];
	v6 =	vadd.s32 v5, v3;
	(v2sf) =	vpush v5, $0xF  }
0xbb: {  	s7 =	sadd.s32 s19, s5;
	v3 =	vld [tilespmem:s17+$0x0];
	v11, _, _ =	vpop (xrf0)  }
0xbc: {  	v5 =	vadd.s32 s7, v7;
	(v2sf) =	vpush v11, $0xF;
	v7, _, _ =	vpop (xrf0)  }
0xbd: {  	v12, _, _ =	vpop (xrf0);
	(v2sf) =	vpush v7, $0xF  }
0xbe: {  	v13 =	vadd.s32 v12, v5;
	(v2sf) =	vpush v12, $0xF  }
0xbf: {  	s7 =	sadd.s32 s20, s21;
	[tilespmem:v6+s26+$0x0] =	vst.idx.msk vm3, v10  }
0xc0: {  	v8 =	vadd.s32 s7, v8;
	v5 =	vor.u32 s6, v14;
	[tilespmem:v6+s28+$0x0] =	vst.idx.msk vm3, v4  }
0xc1: {  	v8 =	vadd.s32 v11, v8;
	[tilespmem:v6+s29+$0x0] =	vst.idx.msk vm3, v3  }
0xc2: {  	[tilespmem:v6+s30+$0x0] =	vst.idx.msk vm3, v5  }
0xc3: {  	s6 =	sadd.s32 s31, s22;
	[tilespmem:v13+s26+$0x0] =	vst.idx.msk vm2, v10  }
0xc4: {  	v6 =	vadd.s32 s6, v9;
	[tilespmem:v13+s28+$0x0] =	vst.idx.msk vm2, v4  }
0xc5: {  	v6 =	vadd.s32 v7, v6;
	[tilespmem:v13+s29+$0x0] =	vst.idx.msk vm2, v3  }
0xc6: {  	[tilespmem:v13+s30+$0x0] =	vst.idx.msk vm2, v5  }
.Ltmp3:
0xc7: {  	[tilespmem:v8+s26+$0x0] =	vst.idx.msk vm1, v10;
	(pc) =	sbr.rel @p0 .LBB3_4-.Ltmp3, $4  }
0xc8: {  	[tilespmem:v8+s28+$0x0] =	vst.idx.msk vm1, v4  }
0xc9: {  	[tilespmem:v8+s29+$0x0] =	vst.idx.msk vm1, v3;
	s6 =	spop (v2sf)  }
0xca: {  	s15 =	sadd.s32 s15, s6;
	[tilespmem:v8+s30+$0x0] =	vst.idx.msk vm1, v5  }
0xcb: {  	s16 =	sadd.s32 $0x10, s16;
	s17 =	sadd.s32 $0x10, s17;
	[tilespmem:v6+s26+$0x0] =	vst.idx.msk vm0, v10;
	s7 =	spop (v2sf)  }
0xcc: {  	s10 =	sadd.s32 s2, s19  }
0xcd: {  	v7 =	vadd.s32 s18, v14;
	s11 =	sadd.s32 $0xF, s1;
	s17 =	sadd.s32 s3, s20;
	p0 =	slt.s32 s19, $0x1  }
0xce: {  	s3 =	simm.s32 $0x1;
	s5 =	simm.s32 $0x1;
	s7 =	rddreg [dreg:$0x4];
	vm3 =	vlt.s32 v7, s19  }
0xcf: {  	s6 =	simm.s32 $0x1;
	s21 =	sadd.s32 s1, s31;
	s9 =	rddreg [dreg:$0x7]  }
0xd0: {  	s8 =	rddreg [dreg:$0x5];
	s22 =	spop (v2sf);
	v8 =	vadd.s32 s10, v14;
	s0 =	sand.u32 $0xF, s11  }
0xd1: {  	[tilespmem:v6+s28+$0x0] =	vst.idx.msk vm0, v4;
	s3 =	simm.s32 @!p0 $0x0;
	p0 =	slt.s32 s20, $0x1;
	p6 =	slt.s32 s11, $0x1;
	vm2 =	vlt.s32 v8, s20  }
0xd2: {  	[tilespmem:v6+s29+$0x0] =	vst.idx.msk vm0, v3;
	s16 =	sshra.s32 s11, $0x1F;
	s5 =	simm.s32 @!p0 $0x0;
	p0 =	slt.s32 s31, $0x1  }
0xd3: {  	v3 =	vadd.s32 s17, v14;
	[tilespmem:v6+s30+$0x0] =	vst.idx.msk vm0, v5;
	p1 =	sne.s32 s0, $0x0;
	s1 =	sshrl.u32 s16, $0x1C;
	s15 =	sadd.s32 s3, s5  }
0xd4: {  	vm1 =	vlt.s32 v3, s31;
	s6 =	simm.s32 @!p0 $0x0;
	p1 =	por !p6, !p1;
	s3 =	simm.s32 $0x1;
	[tilespmem:v7+s26+$0x0] =	vst.idx.msk vm3, v1  }
0xd5: {  	s5 =	rddreg [dreg:$0xa];
	s2 =	sadd.s32 s1, s11;
	s1 =	smov.u32 s8;
	[tilespmem:v7+s28+$0x0] =	vst.idx.msk vm3, v1  }
0xd6: {  	v63 =	vadd.s32 s21, v14;
	s11 =	rddreg [dreg:$0x8];
	s0 =	sadd.s32 s6, s15;
	p1 =	por !p1, !p1;
	[tilespmem:v7+s29+$0x0] =	vst.idx.msk vm3, v1  }
0xd7: {  	vm15 =	vlt.s32 v63, $0x240;
	s2 =	sshrl.u32 s2, $0x4;
	p0 =	sgt.s32 s0, $0x1;
	s3 =	simm.s32 @!p1 $0x0;
	[tilespmem:v8+s26+$0x0] =	vst.idx.msk vm2, v1  }
0xd8: {  	s6 =	rddreg [dreg:$0xb];
	p2 =	seq.s32 @p0 s0, $0x2;
	s3 =	ssub.s32 s2, s3;
	[tilespmem:v8+s28+$0x0] =	vst.idx.msk vm2, v1  }
0xd9: {  	p1 =	por !p2, !p0;
	p2 =	seq.s32 @!p0 s0, $0x0;
	s0 =	rddreg [dreg:$0xd];
	[tilespmem:v8+s29+$0x0] =	vst.idx.msk vm2, v1  }
0xda: {  	s3 =	sadd.s32 s4, s3;
	s4 =	rddreg [dreg:$0x9];
	s5 =	smov.u32 @p1 s0;
	[tilespmem:v3+s26+$0x0] =	vst.idx.msk vm1, v1  }
0xdb: {  	p2 =	por !p2, p0;
	s0 =	smov.u32 s7;
	s6 =	smov.u32 @p1 s12;
	[tilespmem:v3+s28+$0x0] =	vst.idx.msk vm1, v1  }
0xdc: {  	s22 =	sshll.u32 s3, $0x4;
	s0 =	smov.u32 @p2 s9;
	s1 =	smov.u32 @p2 s11;
	[tilespmem:v3+s29+$0x0] =	vst.idx.msk vm1, v1  }
0xdd: {  	s11 =	simm.s32 $0x10;
	s1 =	smov.u32 @p0 s6;
	s6 =	rddreg [dreg:$0x6];
	[tilespmem:v63+s26+$0x0] =	vst.idx.msk vm15, v1  }
0xde: {  	s0 =	smov.u32 @p0 s5;
	s5 =	rddreg [dreg:$0xc];
	s2 =	smov.u32 s6;
	[tilespmem:v63+s28+$0x0] =	vst.idx.msk vm15, v1  }
0xdf: {  	s5 =	smov.u32 @p1 s13;
	s2 =	smov.u32 @p2 s4;
	s4 =	simm.s32 $0x1200;
	[tilespmem:v63+s29+$0x0] =	vst.idx.msk vm15, v1  }
0xe0: {  	[tilespmem:s4], [sflag:$0x1] =	stream.indirect.gather [hbm4b:s0+s11], $0x80, s26, s11, $0xb8;
	[tilespmem:$0x4C00] =	vst v63  }
0xe1: {  	s15 =	simm.s32 $0x1A00;
	s2 =	smov.u32 @p0 s5;
	p0 =	slt.s32 s22, $0x1  }
0xe2: {  	[tilespmem:s15], [sflag:$0x2] =	stream.indirect.gather [hbm4b:s1+s11], $0x80, s28, s11, $0xb8;
	[tilespmem:$0x4C00] =	vst v63  }
.Ltmp4:
0xe3: {  	_ = 	snop;
	(pc) =	sbr.rel @!p0 .LBB3_6-.Ltmp4, $4  }
.Ltmp5:
0xe4: {  	_ = 	snop;
	(pc) =	sbr.rel @p0 .LBB3_17-.Ltmp5, $4  }
0xe5: {  	s16 =	simm.s32 $0x2200  }
0xe6: {  	[tilespmem:s16], [sflag:$0x3] =	stream.indirect.gather [hbm4b:s2+s11], $0x80, s29, s11, $0xb8;
	[tilespmem:$0x4C00] =	vst v63  }
0xe7: {  	s5 =	spop (v2sf);
	s11 =	simm.s32 $0x0  }
0xe8: {  	_ = 	snop  }
.LBB3_16:
0xe9: {  	p0 =	slt.s32 s11, s22  }
.Ltmp6:
0xea: {  	_ = 	snop;
	(pc) =	sbr.rel @!p0 .LBB3_17-.Ltmp6, $1  }
0xeb: {  	_ =	sdelay $0x3  }
.LBB3_6:
0xec: {  	s15 =	sor.u32 $0x10, s11  }
0xed: {  	p0 =	sge.s32 s15, s22  }
0xee: {  	p1 =	sge.s32 @!p0 s15, s19;
	s0 =	simm.s32 @!p0 $0x1  }
0xef: {  	s1 =	simm.s32 @!p0 $0x1;
	p2 =	sge.s32 @!p0 s15, s20;
	s2 =	simm.s32 @!p0 $0x1  }
0xf0: {  	p3 =	sge.s32 @!p0 s15, s31;
	p1 =	por !p1, p0;
	p2 =	por !p2, p0  }
0xf1: {  	s1 =	simm.s32 @p1 $0x0;
	s2 =	simm.s32 @p2 $0x0;
	p1 =	por !p3, p0  }
0xf2: {  	s1 =	sadd.s32 @!p0 s2, s1;
	s0 =	simm.s32 @p1 $0x0  }
0xf3: {  	s0 =	sadd.s32 @!p0 s0, s1  }
0xf4: {  	p2 =	sgt.s32 @!p0 s0, $0x1  }
0xf5: {  	s4 =	rddreg [dreg:$0xb];
	p1 =	por !p2, p0  }
0xf6: {  	s2 =	smov.u32 s9;
	p4 =	por p2, p0;
	p3 =	seq.s32 @!p1 s0, $0x2  }
0xf7: {  	s1 =	rddreg [dreg:$0xa];
	p4 =	seq.s32 @!p4 s0, $0x0;
	p3 =	por @!p0 !p3, !p2  }
0xf8: {  	s0 =	rddreg [dreg:$0xd];
	p4 =	por @!p0 !p4, p2;
	p2 =	por !p3, p0  }
0xf9: {  	p3 =	por !p4, p0;
	s0 =	smov.u32 @p2 s1;
	s1 =	smov.u32 s12  }
0xfa: {  	s3 =	sadd.s32 @!p0 $0x800, s15;
	s2 =	smov.u32 @p3 s7;
	s1 =	smov.u32 @p2 s4  }
0xfb: {  	s0 =	smov.u32 @p1 s2;
	s2 =	simm.s32 @!p0 $0x10;
	s4 =	simm.s32 @!p0 $0x2A00  }
0xfc: {  	[tilespmem:s4], [sflag:$0x4] =	stream.indirect.gather @!p0 [hbm4b:s0+s2], $0x80, s3, s2, $0xb8;
	[tilespmem:$0x4C00] =	vst v63  }
0xfd: {  	s0 =	rddreg [dreg:$0x8]  }
0xfe: {  	s5 =	smov.u32 s13;
	s3 =	sadd.s32 @!p0 $0xA80, s15;
	s4 =	rddreg [dreg:$0xc]  }
0xff: {  	s5 =	smov.u32 @p2 s4;
	s0 =	smov.u32 @p3 s8;
	s4 =	rddreg [dreg:$0x9]  }
0x100: {  	s4 =	smov.u32 @p3 s6;
	s1 =	smov.u32 @p1 s0;
	s0 =	simm.s32 @!p0 $0x3200  }
0x101: {  	[tilespmem:s0], [sflag:$0x5] =	stream.indirect.gather @!p0 [hbm4b:s1+s2], $0x80, s3, s2, $0xb8;
	[tilespmem:$0x4C00] =	vst v63  }
0x102: {  	s0 =	sadd.s32 @!p0 $0xD00, s15;
	s5 =	smov.u32 @p1 s4;
	s1 =	simm.s32 @!p0 $0x3A00  }
0x103: {  	[tilespmem:s1], [sflag:$0x6] =	stream.indirect.gather @!p0 [hbm4b:s5+s2], $0x80, s0, s2, $0xb8;
	[tilespmem:$0x4C00] =	vst v63  }
0x104: {  	_ =	swait.ge [sflag:s25], $0x800  }
0x105: {  	[sflag:s25] =	ssyncset.done $0x0  }
0x106: {  	[sflag:s25] =	ssyncadd.s32 $0xFFFFF800  }
0x107: {  	_ =	swait.ge [sflag:s23], $0x800  }
0x108: {  	[sflag:s23] =	ssyncset.done $0x0  }
0x109: {  	[sflag:s23] =	ssyncadd.s32 $0xFFFFF800  }
0x10a: {  	_ =	swait.ge [sflag:s24], $0x800  }
0x10b: {  	[sflag:s24] =	ssyncset.done $0x0  }
0x10c: {  	s5 =	simm.s32 $0x2300;
	[sflag:s24] =	ssyncadd.s32 $0xFFFFF800  }
0x10d: {  	v0 =	vld [tilespmem:s5+$0xE0];
	_ =	sdelay $0x4  }
0x10e: {  	[tilespmem:$0x1FFF0] =	vst v0  }
0x10f: {  	v4 =	vld [tilespmem:s5+$0xD0]  }
0x110: {  	v5 =	vld [tilespmem:s5+$0xC0]  }
0x111: {  	v6 =	vld [tilespmem:s5+$0xB0]  }
0x112: {  	v7 =	vld [tilespmem:s5+$0xA0]  }
0x113: {  	s0 =	simm.s32 $0x1300;
	v8 =	vld [tilespmem:s5+$0x80]  }
0x114: {  	v9 =	vld [tilespmem:s0+$0xA0]  }
0x115: {  	s1 =	simm.s32 $0x1B00;
	v10 =	vld [tilespmem:s0+$0x80]  }
0x116: {  	v11 =	vld [tilespmem:s1+$0x80]  }
0x117: {  	v12 =	vld [tilespmem:s0+$0x90]  }
0x118: {  	v13 =	vld [tilespmem:s1+$0x90]  }
0x119: {  	v14 =	vld [tilespmem:s1+$0xA0]  }
0x11a: {  	v15 =	vld [tilespmem:s5+$0x90]  }
0x11b: {  	v16 =	vld [tilespmem:s0+$0xB0]  }
0x11c: {  	v17 =	vld [tilespmem:s1+$0xB0]  }
0x11d: {  	v18 =	vld [tilespmem:s0+$0xC0]  }
0x11e: {  	v19 =	vld [tilespmem:s1+$0xC0]  }
0x11f: {  	v20 =	vld [tilespmem:s0+$0xD0]  }
0x120: {  	v21 =	vld [tilespmem:s1+$0xD0]  }
0x121: {  	v22 =	vld [tilespmem:s0+$0xE0]  }
0x122: {  	v23 =	vld [tilespmem:s1+$0xE0]  }
0x123: {  	v24 =	vld [tilespmem:s0+$0xF0]  }
0x124: {  	v25 =	vld [tilespmem:s1+$0xF0]  }
0x125: {  	v26 =	vld [tilespmem:s1+$0xFFFFFF00]  }
0x126: {  	v27 =	vld [tilespmem:s5+$0xF0]  }
0x127: {  	v28 =	vld [tilespmem:s0+$0xFFFFFF10]  }
0x128: {  	v29 =	vld [tilespmem:s1+$0xFFFFFF10]  }
0x129: {  	v30 =	vld [tilespmem:s0+$0xFFFFFF80]  }
0x12a: {  	v31 =	vld [tilespmem:s1+$0xFFFFFF80]  }
0x12b: {  	v32 =	vld [tilespmem:s0+$0xFFFFFF90]  }
0x12c: {  	v33 =	vld [tilespmem:s1+$0xFFFFFF90]  }
0x12d: {  	v34 =	vld [tilespmem:s0+$0x0]  }
0x12e: {  	v35 =	vld [tilespmem:s1+$0x0]  }
0x12f: {  	v36 =	vld [tilespmem:s0+$0x10]  }
0x130: {  	v37 =	vld [tilespmem:s1+$0x10]  }
0x131: {  	v38 =	vld [tilespmem:s0+$0xFFFFFF00]  }
0x132: {  	v39 =	vld [tilespmem:s5+$0xFFFFFF00]  }
0x133: {  	v40 =	vld [tilespmem:s5+$0xFFFFFF10]  }
0x134: {  	v41 =	vld [tilespmem:s0+$0xFFFFFF20]  }
0x135: {  	v42 =	vld [tilespmem:s1+$0xFFFFFF20]  }
0x136: {  	v43 =	vld [tilespmem:s5+$0xFFFFFF80]  }
0x137: {  	v44 =	vld [tilespmem:s5+$0xFFFFFF90]  }
0x138: {  	v45 =	vld [tilespmem:s0+$0xFFFFFFA0]  }
0x139: {  	v46 =	vld [tilespmem:s1+$0xFFFFFFA0]  }
0x13a: {  	v47 =	vld [tilespmem:s5+$0x0]  }
0x13b: {  	v48 =	vld [tilespmem:s5+$0x10]  }
0x13c: {  	v49 =	vld [tilespmem:s0+$0x20]  }
0x13d: {  	v50 =	vld [tilespmem:s1+$0x20]  }
0x13e: {  	v51 =	vld [tilespmem:s5+$0xFFFFFF20]  }
0x13f: {  	v52 =	vld [tilespmem:s0+$0xFFFFFF30]  }
0x140: {  	v53 =	vld [tilespmem:s1+$0xFFFFFF30]  }
0x141: {  	v54 =	vld [tilespmem:s5+$0xFFFFFFA0]  }
0x142: {  	v55 =	vld [tilespmem:s0+$0xFFFFFFB0]  }
0x143: {  	v56 =	vld [tilespmem:s1+$0xFFFFFFB0]  }
0x144: {  	v57 =	vld [tilespmem:s5+$0x20]  }
0x145: {  	v58 =	vld [tilespmem:s0+$0x30]  }
0x146: {  	v59 =	vld [tilespmem:s1+$0x30]  }
0x147: {  	v60 =	vld [tilespmem:s5+$0xFFFFFF30]  }
0x148: {  	v61 =	vld [tilespmem:s0+$0xFFFFFF40]  }
0x149: {  	v62 =	vld [tilespmem:s1+$0xFFFFFF40]  }
0x14a: {  	v63 =	vld [tilespmem:s5+$0xFFFFFFB0]  }
0x14b: {  	v3 =	vld [tilespmem:s0+$0xFFFFFFC0]  }
0x14c: {  	v0 =	vld [tilespmem:s1+$0xFFFFFFC0]  }
0x14d: {  	v10 =	vmul.f32 v11, v10;
	v11 =	vmul.f32 v13, v12;
	v12 =	vld [tilespmem:s5+$0x30]  }
0x14e: {  	v9 =	vmul.f32 v14, v9;
	v13 =	vld [tilespmem:s0+$0x40]  }
0x14f: {  	v14 =	vmul.f32 v17, v16;
	v16 =	vld [tilespmem:s5+$0xFFFFFFC0];
	v17 =	vmul.f32 v23, v22  }
0x150: {  	v32 =	vmul.f32 v33, v32;
	v33 =	vmul.f32 v26, v38;
	v23 =	vld [tilespmem:s1+$0x50]  }
0x151: {  	v38 =	vld [tilespmem:s5+$0xFFFFFF50];
	v8 =	vmul.f32 v8, v10;
	v10 =	vmul.f32 v15, v11  }
0x152: {  	v45 =	vmul.f32 v46, v45;
	v46 =	vld [tilespmem:s5+$0xFFFFFFD0]  }
0x153: {  	v61 =	vmul.f32 v62, v61;
	v62 =	vld [tilespmem:s5+$0xFFFFFF60];
	v7 =	vmul.f32 v7, v9;
	v8 =	vadd.f32 v10, v8  }
0x154: {  	v25 =	vmul.f32 v25, v24;
	v31 =	vmul.f32 v31, v30;
	v11 =	vld [tilespmem:s1+$0x40]  }
0x155: {  	v37 =	vmul.f32 v37, v36;
	v15 =	vld [tilespmem:s5+$0xFFFFFF40];
	v7 =	vadd.f32 v7, v8;
	v8 =	vmul.f32 v19, v18  }
0x156: {  	v50 =	vmul.f32 v50, v49;
	v9 =	vld [tilespmem:s0+$0xFFFFFF50];
	v6 =	vmul.f32 v6, v14  }
0x157: {  	v53 =	vmul.f32 v53, v52;
	v5 =	vmul.f32 v5, v8;
	v8 =	vld [tilespmem:$0x1FFF0]  }
0x158: {  	v0 =	vmul.f32 v0, v3;
	v14 =	vmul.f32 v21, v20;
	v20 =	vld [tilespmem:s0+$0x50];
	v6 =	vadd.f32 v6, v7  }
0x159: {  	v22 =	vmul.f32 v39, v33;
	v21 =	vmul.f32 v44, v32;
	v10 =	vld [tilespmem:s1+$0xFFFFFF50]  }
0x15a: {  	v4 =	vmul.f32 v4, v14;
	v0 =	vmul.f32 v16, v0;
	v16 =	vld [tilespmem:s1+$0xFFFFFFF0];
	v5 =	vadd.f32 v5, v6  }
0x15b: {  	v14 =	vmul.f32 v27, v25;
	v19 =	vld [tilespmem:s0+$0xFFFFFFD0];
	v18 =	vmul.f32 v43, v31  }
0x15c: {  	v43 =	vld [tilespmem:s1+$0xFFFFFF60];
	v11 =	vmul.f32 v11, v13;
	v4 =	vadd.f32 v4, v5;
	v8 =	vmul.f32 v8, v17  }
0x15d: {  	v13 =	vld [tilespmem:s1+$0xFFFFFF70];
	v18 =	vadd.f32 v21, v18;
	v21 =	vmul.f32 v60, v53;
	v6 =	vmul.f32 v29, v28  }
0x15e: {  	v7 =	vld [tilespmem:s1+$0xFFFFFFD0];
	v9 =	vmul.f32 v10, v9;
	v5 =	vmul.f32 v35, v34;
	v4 =	vadd.f32 v8, v4  }
0x15f: {  	v60 =	vld [tilespmem:s1+$0x60];
	v6 =	vmul.f32 v40, v6;
	v8 =	vmul.f32 v42, v41  }
0x160: {  	v10 =	vld [tilespmem:s5+$0xFFFFFFE0];
	v5 =	vmul.f32 v47, v5;
	v4 =	vadd.f32 v14, v4;
	v14 =	vmul.f32 v48, v37  }
0x161: {  	v28 =	vmul.f32 v54, v45;
	v54 =	vld [tilespmem:s5+$0x50];
	v6 =	vadd.f32 v6, v22;
	v8 =	vmul.f32 v51, v8  }
0x162: {  	v40 =	vld [tilespmem:s0+$0xFFFFFF60];
	v22 =	vmul.f32 v57, v50;
	v5 =	vadd.f32 v14, v5  }
0x163: {  	v17 =	vld [tilespmem:s5+$0x40];
	v14 =	vmul.f32 v56, v55;
	v6 =	vadd.f32 v8, v6;
	v8 =	vmul.f32 v59, v58  }
0x164: {  	v18 =	vadd.f32 v28, v18;
	v48 =	vld [tilespmem:s0+$0xFFFFFFE0]  }
0x165: {  	v51 =	vld [tilespmem:s1+$0xFFFFFFE0];
	v14 =	vmul.f32 v63, v14;
	v5 =	vadd.f32 v22, v5;
	v3 =	vmul.f32 v12, v8  }
0x166: {  	v9 =	vmul.f32 v38, v9;
	v57 =	vld [tilespmem:s0+$0x60];
	v6 =	vadd.f32 v21, v6;
	v12 =	vmul.f32 v15, v61  }
0x167: {  	v8 =	vld [tilespmem:s0+$0xFFFFFF70];
	v14 =	vadd.f32 v14, v18;
	v3 =	vadd.f32 v3, v5;
	v5 =	vmul.f32 v7, v19  }
0x168: {  	v15 =	vld [tilespmem:s0+$0xFFFFFFF0];
	v7 =	vmul.f32 v17, v11;
	v6 =	vadd.f32 v12, v6;
	v11 =	vmul.f32 v23, v20  }
0x169: {  	v12 =	vmul.f32 v43, v40;
	v17 =	vld [tilespmem:s5+$0x60];
	v0 =	vadd.f32 v0, v14;
	v5 =	vmul.f32 v46, v5  }
0x16a: {  	v3 =	vadd.f32 v7, v3;
	v14 =	vmul.f32 v51, v48;
	v11 =	vmul.f32 v54, v11;
	v7 =	vld [tilespmem:s0+$0x70]  }
0x16b: {  	v63 =	vmul.f32 v60, v57;
	v6 =	vadd.f32 v9, v6;
	v12 =	vmul.f32 v62, v12;
	v9 =	vld [tilespmem:s1+$0x70]  }
0x16c: {  	v0 =	vadd.f32 v5, v0;
	v5 =	vadd.f32 v11, v3;
	v14 =	vmul.f32 v10, v14;
	v11 =	vld [tilespmem:s5+$0xFFFFFF70]  }
0x16d: {  	s16 =	smov.u32 s11;
	s11 =	sadd.s32 $0x20, s11;
	s2 =	simm.s32 $0x4300;
	v6 =	vadd.f32 v12, v6;
	v3 =	vimm.f32 $0.0e+00;
	v10 =	vmul.f32 v13, v8;
	v12 =	vld [tilespmem:s5+$0xFFFFFFF0]  }
0x16e: {  	s3 =	simm.s32 $0x0;
	p1 =	por $0x1, $0x1;
	s4 =	simm.s32 $0x2500;
	[tilespmem:s2+$0x80] =	vst v4;
	v13 =	vld [tilespmem:s5+$0x70];
	v8 =	vadd.f32 v14, v0;
	v14 =	vmul.f32 v16, v15;
	v15 =	vmul.f32 v17, v63  }
.LBB3_7:
0x16f: {  	v0 =	vld [tilespmem:s4+$0xE0]  }
0x170: {  	v4 =	vld [tilespmem:s4+$0xD0];
	v5 =	vadd.f32 v15, v5;
	v7 =	vmul.f32 v9, v7  }
0x171: {  	v9 =	vld [tilespmem:s4+$0xC0];
	v10 =	vmul.f32 v11, v10  }
0x172: {  	v11 =	vld [tilespmem:s4+$0xB0];
	v12 =	vmul.f32 v12, v14  }
0x173: {  	v14 =	vld [tilespmem:s4+$0xA0];
	v6 =	vadd.f32 v10, v6;
	v7 =	vmul.f32 v13, v7  }
0x174: {  	s0 =	sadd.s32 $0x200, s0;
	v10 =	vld [tilespmem:s4+$0x80];
	v8 =	vadd.f32 v12, v8  }
0x175: {  	v12 =	vld [tilespmem:s0+$0xA0];
	[tilespmem:s2+$0xFFFFFF00] =	vst v6;
	v5 =	vadd.f32 v7, v5  }
0x176: {  	s1 =	sadd.s32 $0x200, s1;
	v6 =	vld [tilespmem:s0+$0x80];
	[tilespmem:s2+$0xFFFFFF80] =	vst v8  }
0x177: {  	v7 =	vld [tilespmem:s1+$0x80];
	[tilespmem:s2+$0x0] =	vst v5  }
0x178: {  	v5 =	vld [tilespmem:s0+$0x90]  }
0x179: {  	s3 =	sadd.s32 $0x4, s3;
	v8 =	vld [tilespmem:s1+$0x90]  }
0x17a: {  	p2 =	slt.u32 s3, $0xC;
	v13 =	vld [tilespmem:s1+$0xA0]  }
0x17b: {  	v15 =	vld [tilespmem:s4+$0x90]  }
0x17c: {  	v16 =	vld [tilespmem:s0+$0xB0]  }
0x17d: {  	v17 =	vld [tilespmem:s1+$0xB0]  }
0x17e: {  	v6 =	vmul.f32 v7, v6;
	v5 =	vmul.f32 v8, v5;
	v7 =	vld [tilespmem:s0+$0xC0]  }
0x17f: {  	v8 =	vmul.f32 v13, v12;
	v12 =	vld [tilespmem:s1+$0xC0]  }
0x180: {  	v6 =	vmul.f32 v10, v6;
	v5 =	vmul.f32 v15, v5;
	v10 =	vld [tilespmem:s0+$0xD0]  }
0x181: {  	v13 =	vld [tilespmem:s1+$0xD0]  }
0x182: {  	v5 =	vadd.f32 v5, v6;
	v6 =	vmul.f32 v14, v8;
	v8 =	vmul.f32 v17, v16;
	v14 =	vld [tilespmem:s0+$0xE0]  }
0x183: {  	v15 =	vld [tilespmem:s1+$0xE0]  }
0x184: {  	v5 =	vadd.f32 v6, v5;
	v6 =	vmul.f32 v11, v8;
	v7 =	vmul.f32 v12, v7;
	v8 =	vld [tilespmem:s0+$0xF0]  }
0x185: {  	v11 =	vld [tilespmem:s1+$0xF0]  }
0x186: {  	v12 =	vld [tilespmem:s1+$0xFFFFFF00];
	v5 =	vadd.f32 v6, v5;
	v6 =	vmul.f32 v9, v7;
	v7 =	vmul.f32 v13, v10  }
0x187: {  	v9 =	vld [tilespmem:s4+$0xF0]  }
0x188: {  	v10 =	vld [tilespmem:s0+$0xFFFFFF10];
	v5 =	vadd.f32 v6, v5;
	v4 =	vmul.f32 v4, v7;
	v6 =	vmul.f32 v15, v14  }
0x189: {  	v7 =	vld [tilespmem:s1+$0xFFFFFF10]  }
0x18a: {  	v13 =	vld [tilespmem:s0+$0xFFFFFF80];
	v4 =	vadd.f32 v4, v5;
	v0 =	vmul.f32 v0, v6;
	v5 =	vmul.f32 v11, v8  }
0x18b: {  	v6 =	vld [tilespmem:s1+$0xFFFFFF80]  }
0x18c: {  	v8 =	vld [tilespmem:s0+$0xFFFFFF90];
	v0 =	vadd.f32 v0, v4;
	v4 =	vmul.f32 v9, v5  }
0x18d: {  	v5 =	vld [tilespmem:s1+$0xFFFFFF90]  }
0x18e: {  	v7 =	vmul.f32 v7, v10;
	v9 =	vld [tilespmem:s0+$0x0];
	v0 =	vadd.f32 v4, v0  }
0x18f: {  	s2 =	sadd.s32 $0x200, s2;
	v10 =	vld [tilespmem:s1+$0x0]  }
0x190: {  	v4 =	vimm.s32 $0x0;
	v6 =	vmul.f32 v6, v13;
	v11 =	vld [tilespmem:s0+$0x10];
	[tilespmem:s2+$0x80] =	vst v0  }
0x191: {  	v0 =	vld [tilespmem:s1+$0x10]  }
0x192: {  	v13 =	vld [tilespmem:s0+$0xFFFFFF00];
	v5 =	vmul.f32 v5, v8  }
0x193: {  	v8 =	vld [tilespmem:s4+$0xFFFFFF00]  }
0x194: {  	v14 =	vld [tilespmem:s4+$0xFFFFFF10];
	v9 =	vmul.f32 v10, v9  }
0x195: {  	v10 =	vld [tilespmem:s0+$0xFFFFFF20]  }
0x196: {  	v15 =	vld [tilespmem:s1+$0xFFFFFF20];
	v0 =	vmul.f32 v0, v11  }
0x197: {  	v11 =	vmul.f32 v12, v13;
	v12 =	vld [tilespmem:s4+$0xFFFFFF80]  }
0x198: {  	v13 =	vld [tilespmem:s4+$0xFFFFFF90]  }
0x199: {  	v8 =	vmul.f32 v8, v11;
	v7 =	vmul.f32 v14, v7;
	v11 =	vld [tilespmem:s0+$0xFFFFFFA0]  }
0x19a: {  	v14 =	vld [tilespmem:s1+$0xFFFFFFA0]  }
0x19b: {  	v7 =	vadd.f32 v7, v8;
	v8 =	vmul.f32 v15, v10;
	v10 =	vld [tilespmem:s4+$0x0]  }
0x19c: {  	v6 =	vmul.f32 v12, v6;
	v12 =	vld [tilespmem:s4+$0x10]  }
0x19d: {  	v5 =	vmul.f32 v13, v5;
	v13 =	vld [tilespmem:s0+$0x20]  }
0x19e: {  	v15 =	vld [tilespmem:s1+$0x20]  }
0x19f: {  	v16 =	vld [tilespmem:s4+$0xFFFFFF20];
	v5 =	vadd.f32 v5, v6;
	v6 =	vmul.f32 v14, v11  }
0x1a0: {  	v11 =	vld [tilespmem:s0+$0xFFFFFF30];
	v9 =	vmul.f32 v10, v9  }
0x1a1: {  	v10 =	vld [tilespmem:s1+$0xFFFFFF30];
	v0 =	vmul.f32 v12, v0  }
0x1a2: {  	v12 =	vld [tilespmem:s4+$0xFFFFFFA0]  }
0x1a3: {  	v14 =	vld [tilespmem:s0+$0xFFFFFFB0];
	v0 =	vadd.f32 v0, v9;
	v9 =	vmul.f32 v15, v13  }
0x1a4: {  	v8 =	vmul.f32 v16, v8;
	v13 =	vld [tilespmem:s1+$0xFFFFFFB0]  }
0x1a5: {  	v15 =	vld [tilespmem:s4+$0x20]  }
0x1a6: {  	v7 =	vadd.f32 v8, v7;
	v8 =	vmul.f32 v10, v11;
	v10 =	vld [tilespmem:s0+$0x30]  }
0x1a7: {  	v6 =	vmul.f32 v12, v6;
	v11 =	vld [tilespmem:s1+$0x30]  }
0x1a8: {  	v12 =	vld [tilespmem:s4+$0xFFFFFF30]  }
0x1a9: {  	v16 =	vld [tilespmem:s0+$0xFFFFFF40];
	v5 =	vadd.f32 v6, v5;
	v6 =	vmul.f32 v13, v14  }
0x1aa: {  	v13 =	vld [tilespmem:s1+$0xFFFFFF40];
	v9 =	vmul.f32 v15, v9  }
0x1ab: {  	v14 =	vld [tilespmem:s4+$0xFFFFFFB0]  }
0x1ac: {  	v15 =	vld [tilespmem:s0+$0xFFFFFFC0];
	v0 =	vadd.f32 v9, v0;
	v9 =	vmul.f32 v11, v10  }
0x1ad: {  	v8 =	vmul.f32 v12, v8;
	v10 =	vld [tilespmem:s1+$0xFFFFFFC0]  }
0x1ae: {  	v11 =	vld [tilespmem:s4+$0x30]  }
0x1af: {  	v7 =	vadd.f32 v8, v7;
	v8 =	vmul.f32 v13, v16;
	v12 =	vld [tilespmem:s0+$0x40]  }
0x1b0: {  	v6 =	vmul.f32 v14, v6;
	v13 =	vld [tilespmem:s1+$0x40]  }
0x1b1: {  	v14 =	vld [tilespmem:s4+$0xFFFFFF40]  }
0x1b2: {  	v16 =	vld [tilespmem:s0+$0xFFFFFF50];
	v5 =	vadd.f32 v6, v5;
	v6 =	vmul.f32 v10, v15  }
0x1b3: {  	v10 =	vld [tilespmem:s1+$0xFFFFFF50];
	v9 =	vmul.f32 v11, v9  }
0x1b4: {  	v11 =	vld [tilespmem:s4+$0xFFFFFFC0]  }
0x1b5: {  	v15 =	vld [tilespmem:s0+$0xFFFFFFD0];
	v0 =	vadd.f32 v9, v0;
	v9 =	vmul.f32 v13, v12  }
0x1b6: {  	v8 =	vmul.f32 v14, v8;
	v12 =	vld [tilespmem:s1+$0xFFFFFFD0]  }
0x1b7: {  	v13 =	vld [tilespmem:s4+$0x40]  }
0x1b8: {  	v7 =	vadd.f32 v8, v7;
	v8 =	vmul.f32 v10, v16;
	v10 =	vld [tilespmem:s0+$0x50]  }
0x1b9: {  	v6 =	vmul.f32 v11, v6;
	v11 =	vld [tilespmem:s1+$0x50]  }
0x1ba: {  	v14 =	vld [tilespmem:s4+$0xFFFFFF50]  }
0x1bb: {  	v16 =	vld [tilespmem:s0+$0xFFFFFF60];
	v5 =	vadd.f32 v6, v5;
	v6 =	vmul.f32 v12, v15  }
0x1bc: {  	v12 =	vld [tilespmem:s1+$0xFFFFFF60];
	v9 =	vmul.f32 v13, v9  }
0x1bd: {  	v13 =	vld [tilespmem:s4+$0xFFFFFFD0]  }
0x1be: {  	v15 =	vld [tilespmem:s0+$0xFFFFFFE0];
	v0 =	vadd.f32 v9, v0;
	v9 =	vmul.f32 v11, v10  }
0x1bf: {  	v8 =	vmul.f32 v14, v8;
	v10 =	vld [tilespmem:s1+$0xFFFFFFE0]  }
0x1c0: {  	v11 =	vld [tilespmem:s4+$0x50]  }
0x1c1: {  	v7 =	vadd.f32 v8, v7;
	v8 =	vmul.f32 v12, v16;
	v12 =	vld [tilespmem:s0+$0x60]  }
0x1c2: {  	v6 =	vmul.f32 v13, v6;
	v13 =	vld [tilespmem:s1+$0x60]  }
0x1c3: {  	v14 =	vld [tilespmem:s4+$0xFFFFFF60]  }
0x1c4: {  	v16 =	vld [tilespmem:s0+$0xFFFFFF70];
	v17 =	vadd.f32 v6, v5;
	v15 =	vmul.f32 v10, v15  }
0x1c5: {  	v10 =	vld [tilespmem:s1+$0xFFFFFF70];
	v5 =	vmul.f32 v11, v9  }
0x1c6: {  	v9 =	vld [tilespmem:s4+$0xFFFFFFE0]  }
0x1c7: {  	v18 =	vld [tilespmem:s0+$0xFFFFFFF0];
	v5 =	vadd.f32 v5, v0;
	v0 =	vmul.f32 v13, v12  }
0x1c8: {  	v6 =	vmul.f32 v14, v8;
	v12 =	vld [tilespmem:s1+$0xFFFFFFF0]  }
0x1c9: {  	v13 =	vld [tilespmem:s4+$0x60]  }
.Ltmp7:
0x1ca: {  	v6 =	vadd.f32 v6, v7;
	v10 =	vmul.f32 v10, v16;
	v7 =	vld [tilespmem:s0+$0x70];
	(pc) =	sbr.rel @p2 .LBB3_7-.Ltmp7, $4  }
0x1cb: {  	v8 =	vmul.f32 v9, v15;
	v9 =	vld [tilespmem:s1+$0x70]  }
0x1cc: {  	v11 =	vld [tilespmem:s4+$0xFFFFFF70]  }
0x1cd: {  	v8 =	vadd.f32 v8, v17;
	v14 =	vmul.f32 v12, v18;
	v12 =	vld [tilespmem:s4+$0xFFFFFFF0]  }
0x1ce: {  	v15 =	vmul.f32 v13, v0;
	v13 =	vld [tilespmem:s4+$0x70];
	s4 =	sadd.s32 $0x200, s4  }
0x1cf: {  	_ =	sdelay $0x1  }
0x1d0: {  	v0 =	vmul.f32 v9, v7;
	v7 =	vmul.f32 v11, v10  }
0x1d1: {  	v63 =	vmul.f32 v12, v14  }
0x1d2: {  	v5 =	vadd.f32 v15, v5;
	v6 =	vadd.f32 v7, v6;
	v0 =	vmul.f32 v13, v0  }
0x1d3: {  	v7 =	vadd.f32 v63, v8  }
0x1d4: {  	[tilespmem:s2+$0xFFFFFF00] =	vst v6;
	v0 =	vadd.f32 v0, v5  }
0x1d5: {  	[tilespmem:s2+$0xFFFFFF80] =	vst v7  }
0x1d6: {  	v5 =	vimm.f32 $0.0e+00;
	[tilespmem:s2+$0x0] =	vst v0  }
.LBB3_9:
0x1d7: {  	v0 =	vand.u32 $0xFFFFFFF8, v4  }
0x1d8: {  	v0 =	vadd.s32 v2, v0  }
0x1d9: {  	v6 =	vor.u32 $0x1, v0  }
0x1da: {  	v7 =	vor.u32 $0x2, v0  }
0x1db: {  	v8 =	vor.u32 $0x3, v0  }
0x1dc: {  	v9 =	vor.u32 $0x4, v0  }
0x1dd: {  	v11 =	vor.u32 $0x5, v0;
	v10 =	vld.idx.msk [tilespmem:v0+s14+$0x0], $0xffff  }
0x1de: {  	v12 =	vor.u32 $0x6, v0;
	v0 =	vor.u32 $0x7, v0;
	v6 =	vld.idx.msk [tilespmem:v6+s14+$0x0], $0xffff  }
0x1df: {  	v7 =	vld.idx.msk [tilespmem:v7+s14+$0x0], $0xffff  }
0x1e0: {  	v8 =	vld.idx.msk [tilespmem:v8+s14+$0x0], $0xffff  }
0x1e1: {  	v9 =	vld.idx.msk [tilespmem:v9+s14+$0x0], $0xffff  }
0x1e2: {  	v11 =	vld.idx.msk [tilespmem:v11+s14+$0x0], $0xffff  }
0x1e3: {  	v5 =	vadd.f32 v10, v5;
	v0 =	vld.idx.msk [tilespmem:v0+s14+$0x0], $0xffff;
	v3 =	vadd.f32 v6, v3  }
0x1e4: {  	p2 =	por p1, p1;
	v6 =	vld.idx.msk [tilespmem:v12+s14+$0x0], $0xffff  }
.Ltmp8:
0x1e5: {  	v5 =	vadd.f32 v7, v5;
	v3 =	vadd.f32 v8, v3;
	(pc) =	sbr.rel @p2 .LBB3_9-.Ltmp8, $3  }
0x1e6: {  	_ = 	snop  }
0x1e7: {  	v5 =	vadd.f32 v9, v5;
	v3 =	vadd.f32 v11, v3;
	_ =	sdelay $0x1  }
0x1e8: {  	v4 =	vadd.s32 $0x8, v4;
	p1 =	por $0x0, $0x0;
	v5 =	vadd.f32 v6, v5;
	v3 =	vadd.f32 v0, v3  }
0x1e9: {  	p1 =	sge.s32 s16, s19;
	s0 =	simm.s32 $0x1  }
0x1ea: {  	s1 =	simm.s32 $0x1;
	s0 =	simm.s32 @!p1 $0x0;
	p1 =	sge.s32 s16, s20  }
0x1eb: {  	s2 =	simm.s32 $0x1;
	s1 =	simm.s32 @!p1 $0x0;
	p1 =	sge.s32 s16, s31  }
0x1ec: {  	s0 =	sadd.s32 s1, s0;
	s2 =	simm.s32 @!p1 $0x0  }
0x1ed: {  	s0 =	sadd.s32 s2, s0  }
0x1ee: {  	s1 =	smov.u32 s21;
	p1 =	seq.s32 s0, $0x2  }
0x1ef: {  	p2 =	seq.s32 s0, $0x1;
	s1 =	smov.u32 @p1 s17  }
0x1f0: {  	p3 =	seq.s32 s0, $0x0;
	p1 =	sge.s32 s11, s22;
	s1 =	smov.u32 @p2 s10  }
0x1f1: {  	p2 =	sge.s32 @!p1 s11, s19;
	s0 =	simm.s32 @!p1 $0x1;
	s2 =	simm.s32 @!p1 $0x1  }
0x1f2: {  	s3 =	simm.s32 @!p1 $0x1;
	s1 =	smov.u32 @p3 s18;
	p3 =	sge.s32 @!p1 s11, s20  }
0x1f3: {  	p4 =	sge.s32 @!p1 s11, s31;
	p2 =	por !p2, p1;
	p3 =	por !p3, p1  }
0x1f4: {  	s2 =	simm.s32 @p2 $0x0;
	p2 =	por !p4, p1;
	s3 =	simm.s32 @p3 $0x0  }
0x1f5: {  	v0 =	vld [tilespmem:s16+$0xF80];
	s1 =	ssub.s32 s1, s16;
	s0 =	simm.s32 @p2 $0x0;
	s2 =	sadd.s32 @!p1 s3, s2  }
0x1f6: {  	v14 =	vlaneseq.u32;
	v4 =	vmov s1;
	s0 =	sadd.s32 @!p1 s0, s2  }
0x1f7: {  	vm0 =	vgt.s32 v4, v14;
	p3 =	sgt.s32 @!p1 s0, $0x1  }
0x1f8: {  	s16 =	simm.s32 $0x4A00;
	p2 =	por !p3, p1;
	p4 =	por p3, p1  }
0x1f9: {  	s1 =	smov.u32 s9;
	p5 =	seq.s32 @!p2 s0, $0x2;
	p4 =	seq.s32 @!p4 s0, $0x0  }
0x1fa: {  	s3 =	rddreg [dreg:$0xa];
	p5 =	por @!p1 !p5, !p3;
	p4 =	por @!p1 !p4, p3  }
0x1fb: {  	v3 =	vadd.f32 v3, v5;
	s0 =	rddreg [dreg:$0xd];
	p3 =	por !p5, p1;
	p4 =	por !p4, p1  }
0x1fc: {  	s2 =	sadd.s32 @!p1 $0x800, s11;
	s0 =	smov.u32 @p3 s3;
	s1 =	smov.u32 @p4 s7  }
0x1fd: {  	[tilespmem:v0+s16+$0x0] =	vst.idx.msk vm0, v3;
	s3 =	simm.s32 @!p1 $0x1200;
	s0 =	smov.u32 @p2 s1;
	s1 =	simm.s32 @!p1 $0x10  }
0x1fe: {  	[tilespmem:s3], [sflag:$0x1] =	stream.indirect.gather @!p1 [hbm4b:s0+s1], $0x80, s2, s1, $0xb8;
	[tilespmem:$0x4C00] =	vst v63  }
0x1ff: {  	s2 =	rddreg [dreg:$0x8]  }
0x200: {  	s0 =	smov.u32 s12;
	s3 =	rddreg [dreg:$0xb]  }
0x201: {  	s0 =	smov.u32 @p3 s3;
	s2 =	smov.u32 @p4 s8  }
0x202: {  	s3 =	sadd.s32 @!p1 $0xA80, s11;
	s0 =	smov.u32 @p2 s2;
	s2 =	simm.s32 @!p1 $0x1A00  }
0x203: {  	[tilespmem:s2], [sflag:$0x2] =	stream.indirect.gather @!p1 [hbm4b:s0+s1], $0x80, s3, s1, $0xb8;
	[tilespmem:$0x4C00] =	vst v63  }
.Ltmp9:
0x204: {  	s2 =	rddreg [dreg:$0x9];
	(pc) =	sbr.rel @p0 .LBB3_16-.Ltmp9, $4  }
0x205: {  	s0 =	smov.u32 s13;
	s3 =	rddreg [dreg:$0xc]  }
0x206: {  	s0 =	smov.u32 @p3 s3;
	s2 =	smov.u32 @p4 s6  }
0x207: {  	s3 =	sadd.s32 @!p1 $0xD00, s11;
	s0 =	smov.u32 @p2 s2;
	s2 =	simm.s32 @!p1 $0x2200  }
0x208: {  	[tilespmem:s2], [sflag:$0x3] =	stream.indirect.gather @!p1 [hbm4b:s0+s1], $0x80, s3, s1, $0xb8;
	[tilespmem:$0x4C00] =	vst v63  }
0x209: {  	s0 =	simm.s32 $0x4  }
0x20a: {  	_ =	swait.ge [sflag:s0], $0x800  }
0x20b: {  	[sflag:s0] =	ssyncset.done $0x0  }
0x20c: {  	s5 =	simm.s32 $0x5;
	[sflag:s0] =	ssyncadd.s32 $0xFFFFF800  }
0x20d: {  	_ =	swait.ge [sflag:s5], $0x800  }
0x20e: {  	[sflag:s5] =	ssyncset.done $0x0  }
0x20f: {  	s16 =	simm.s32 $0x6;
	[sflag:s5] =	ssyncadd.s32 $0xFFFFF800  }
0x210: {  	_ =	swait.ge [sflag:s16], $0x800  }
0x211: {  	[sflag:s16] =	ssyncset.done $0x0  }
0x212: {  	s3 =	simm.s32 $0x3B00;
	[sflag:s16] =	ssyncadd.s32 $0xFFFFF800  }
0x213: {  	v0 =	vld [tilespmem:s3+$0xE0];
	_ =	sdelay $0x4  }
0x214: {  	[tilespmem:$0x1FFE0] =	vst v0  }
0x215: {  	v3 =	vld [tilespmem:s3+$0xD0]  }
0x216: {  	v4 =	vld [tilespmem:s3+$0xC0]  }
0x217: {  	v5 =	vld [tilespmem:s3+$0xB0]  }
0x218: {  	v6 =	vld [tilespmem:s3+$0xA0]  }
0x219: {  	s0 =	simm.s32 $0x2B00;
	v7 =	vld [tilespmem:s3+$0x80]  }
0x21a: {  	v8 =	vld [tilespmem:s0+$0xA0]  }
0x21b: {  	s1 =	simm.s32 $0x3300;
	v9 =	vld [tilespmem:s0+$0x80]  }
0x21c: {  	v10 =	vld [tilespmem:s1+$0x80]  }
0x21d: {  	v11 =	vld [tilespmem:s0+$0x90]  }
0x21e: {  	v12 =	vld [tilespmem:s1+$0x90]  }
0x21f: {  	v13 =	vld [tilespmem:s1+$0xA0]  }
0x220: {  	v14 =	vld [tilespmem:s3+$0x90]  }
0x221: {  	v15 =	vld [tilespmem:s0+$0xB0]  }
0x222: {  	v16 =	vld [tilespmem:s1+$0xB0]  }
0x223: {  	v17 =	vld [tilespmem:s0+$0xC0]  }
0x224: {  	v18 =	vld [tilespmem:s1+$0xC0]  }
0x225: {  	v19 =	vld [tilespmem:s0+$0xD0]  }
0x226: {  	v20 =	vld [tilespmem:s1+$0xD0]  }
0x227: {  	v21 =	vld [tilespmem:s0+$0xE0]  }
0x228: {  	v22 =	vld [tilespmem:s1+$0xE0]  }
0x229: {  	v23 =	vld [tilespmem:s0+$0xF0]  }
0x22a: {  	v24 =	vld [tilespmem:s1+$0xF0]  }
0x22b: {  	v25 =	vld [tilespmem:s1+$0xFFFFFF00]  }
0x22c: {  	v26 =	vld [tilespmem:s3+$0xF0]  }
0x22d: {  	v27 =	vld [tilespmem:s0+$0xFFFFFF10]  }
0x22e: {  	v28 =	vld [tilespmem:s1+$0xFFFFFF10]  }
0x22f: {  	v29 =	vld [tilespmem:s0+$0xFFFFFF80]  }
0x230: {  	v30 =	vld [tilespmem:s1+$0xFFFFFF80]  }
0x231: {  	v31 =	vld [tilespmem:s0+$0xFFFFFF90]  }
0x232: {  	v32 =	vld [tilespmem:s1+$0xFFFFFF90]  }
0x233: {  	v33 =	vld [tilespmem:s0+$0x0]  }
0x234: {  	v34 =	vld [tilespmem:s1+$0x0]  }
0x235: {  	v35 =	vld [tilespmem:s0+$0x10]  }
0x236: {  	v36 =	vld [tilespmem:s1+$0x10]  }
0x237: {  	v37 =	vld [tilespmem:s0+$0xFFFFFF00]  }
0x238: {  	v38 =	vld [tilespmem:s3+$0xFFFFFF00]  }
0x239: {  	v39 =	vld [tilespmem:s3+$0xFFFFFF10]  }
0x23a: {  	v40 =	vld [tilespmem:s0+$0xFFFFFF20]  }
0x23b: {  	v41 =	vld [tilespmem:s1+$0xFFFFFF20]  }
0x23c: {  	v42 =	vld [tilespmem:s3+$0xFFFFFF80]  }
0x23d: {  	v43 =	vld [tilespmem:s3+$0xFFFFFF90]  }
0x23e: {  	v44 =	vld [tilespmem:s0+$0xFFFFFFA0]  }
0x23f: {  	v45 =	vld [tilespmem:s1+$0xFFFFFFA0]  }
0x240: {  	v46 =	vld [tilespmem:s3+$0x0]  }
0x241: {  	v47 =	vld [tilespmem:s3+$0x10]  }
0x242: {  	v48 =	vld [tilespmem:s0+$0x20]  }
0x243: {  	v49 =	vld [tilespmem:s1+$0x20]  }
0x244: {  	v50 =	vld [tilespmem:s3+$0xFFFFFF20]  }
0x245: {  	v51 =	vld [tilespmem:s0+$0xFFFFFF30]  }
0x246: {  	v52 =	vld [tilespmem:s1+$0xFFFFFF30]  }
0x247: {  	v53 =	vld [tilespmem:s3+$0xFFFFFFA0]  }
0x248: {  	v54 =	vld [tilespmem:s0+$0xFFFFFFB0]  }
0x249: {  	v55 =	vld [tilespmem:s1+$0xFFFFFFB0]  }
0x24a: {  	v56 =	vld [tilespmem:s3+$0x20]  }
0x24b: {  	v57 =	vld [tilespmem:s0+$0x30]  }
0x24c: {  	v58 =	vld [tilespmem:s1+$0x30]  }
0x24d: {  	v59 =	vld [tilespmem:s3+$0xFFFFFF30]  }
0x24e: {  	v60 =	vld [tilespmem:s0+$0xFFFFFF40]  }
0x24f: {  	v61 =	vld [tilespmem:s1+$0xFFFFFF40]  }
0x250: {  	v62 =	vld [tilespmem:s3+$0xFFFFFFB0]  }
0x251: {  	v63 =	vld [tilespmem:s0+$0xFFFFFFC0]  }
0x252: {  	v0 =	vld [tilespmem:s1+$0xFFFFFFC0]  }
0x253: {  	v9 =	vmul.f32 v10, v9;
	v10 =	vmul.f32 v12, v11;
	v11 =	vld [tilespmem:s3+$0x30]  }
0x254: {  	v12 =	vld [tilespmem:s0+$0x40]  }
0x255: {  	v8 =	vmul.f32 v13, v8;
	v13 =	vld [tilespmem:s3+$0xFFFFFF40]  }
0x256: {  	v48 =	vmul.f32 v49, v48;
	v49 =	vld [tilespmem:s1+$0xFFFFFFE0]  }
0x257: {  	v51 =	vmul.f32 v52, v51;
	v52 =	vld [tilespmem:s3+$0x50];
	v54 =	vmul.f32 v55, v54  }
0x258: {  	v55 =	vld [tilespmem:s0+$0x60];
	v7 =	vmul.f32 v7, v9;
	v9 =	vmul.f32 v14, v10  }
0x259: {  	v57 =	vmul.f32 v58, v57;
	v58 =	vld [tilespmem:s1+$0x60];
	v60 =	vmul.f32 v61, v60  }
0x25a: {  	v61 =	vld [tilespmem:s3+$0xFFFFFF60];
	v6 =	vmul.f32 v6, v8;
	v8 =	vmul.f32 v16, v15;
	v7 =	vadd.f32 v9, v7  }
0x25b: {  	v0 =	vmul.f32 v0, v63;
	v63 =	vld [tilespmem:s0+$0xFFFFFF70];
	v15 =	vmul.f32 v20, v19  }
0x25c: {  	v10 =	vld [tilespmem:s1+$0x40];
	v5 =	vmul.f32 v5, v8;
	v6 =	vadd.f32 v6, v7;
	v7 =	vmul.f32 v18, v17  }
0x25d: {  	v29 =	vmul.f32 v30, v29;
	v3 =	vmul.f32 v3, v15;
	v15 =	vld [tilespmem:$0x1FFE0]  }
0x25e: {  	v30 =	vmul.f32 v25, v37;
	v14 =	vld [tilespmem:s1+$0xFFFFFF50];
	v5 =	vadd.f32 v5, v6;
	v4 =	vmul.f32 v4, v7  }
0x25f: {  	v34 =	vmul.f32 v34, v33;
	v16 =	vmul.f32 v22, v21;
	v21 =	vld [tilespmem:s1+$0x50]  }
0x260: {  	v37 =	vmul.f32 v36, v35;
	v20 =	vmul.f32 v38, v30;
	v38 =	vld [tilespmem:s0+$0xFFFFFF60];
	v4 =	vadd.f32 v4, v5  }
0x261: {  	v22 =	vmul.f32 v46, v34;
	v46 =	vld [tilespmem:s0+$0xFFFFFFE0];
	v6 =	vmul.f32 v24, v23  }
0x262: {  	v19 =	vmul.f32 v42, v29;
	v9 =	vld [tilespmem:s0+$0xFFFFFF50];
	v15 =	vmul.f32 v15, v16;
	v3 =	vadd.f32 v3, v4  }
0x263: {  	v8 =	vld [tilespmem:s3+$0xFFFFFFC0];
	v5 =	vmul.f32 v26, v6;
	v6 =	vmul.f32 v28, v27  }
0x264: {  	v17 =	vld [tilespmem:s0+$0xFFFFFFD0];
	v10 =	vmul.f32 v10, v12;
	v4 =	vmul.f32 v32, v31;
	v3 =	vadd.f32 v15, v3  }
0x265: {  	v18 =	vld [tilespmem:s0+$0x50];
	v6 =	vmul.f32 v39, v6;
	v15 =	vmul.f32 v41, v40  }
0x266: {  	v12 =	vld [tilespmem:s1+$0xFFFFFF70];
	v4 =	vmul.f32 v43, v4;
	v3 =	vadd.f32 v5, v3;
	v5 =	vmul.f32 v45, v44  }
0x267: {  	v47 =	vmul.f32 v47, v37;
	v7 =	vld [tilespmem:s1+$0xFFFFFFD0];
	v6 =	vadd.f32 v6, v20;
	v15 =	vmul.f32 v50, v15  }
0x268: {  	v16 =	vld [tilespmem:s3+$0x40];
	v4 =	vadd.f32 v4, v19;
	v5 =	vmul.f32 v53, v5  }
0x269: {  	v23 =	vld [tilespmem:s3+$0xFFFFFF50];
	v20 =	vadd.f32 v47, v22;
	v6 =	vadd.f32 v15, v6;
	v15 =	vmul.f32 v56, v48  }
0x26a: {  	v62 =	vmul.f32 v62, v54;
	v41 =	vld [tilespmem:s1+$0xFFFFFF60];
	v4 =	vadd.f32 v5, v4;
	v5 =	vmul.f32 v59, v51  }
0x26b: {  	v9 =	vmul.f32 v14, v9;
	v0 =	vmul.f32 v8, v0;
	v43 =	vld [tilespmem:s3+$0xFFFFFFD0];
	v15 =	vadd.f32 v15, v20  }
0x26c: {  	v14 =	vld [tilespmem:s0+$0xFFFFFFF0];
	v5 =	vadd.f32 v5, v6;
	v6 =	vmul.f32 v11, v57;
	v11 =	vmul.f32 v13, v60  }
0x26d: {  	v7 =	vmul.f32 v7, v17;
	v8 =	vmul.f32 v16, v10;
	v4 =	vadd.f32 v62, v4;
	v13 =	vld [tilespmem:s3+$0xFFFFFFE0]  }
0x26e: {  	v10 =	vmul.f32 v21, v18;
	v16 =	vld [tilespmem:s3+$0x60];
	v6 =	vadd.f32 v6, v15;
	v5 =	vadd.f32 v11, v5  }
0x26f: {  	v15 =	vld [tilespmem:s1+$0xFFFFFFF0];
	v0 =	vadd.f32 v0, v4;
	v4 =	vmul.f32 v23, v9;
	v9 =	vmul.f32 v41, v38  }
0x270: {  	v11 =	vmul.f32 v49, v46;
	v6 =	vadd.f32 v8, v6;
	v8 =	vmul.f32 v43, v7;
	v7 =	vld [tilespmem:s0+$0x70]  }
0x271: {  	v4 =	vadd.f32 v4, v5;
	v5 =	vmul.f32 v52, v10;
	v10 =	vmul.f32 v61, v9;
	v9 =	vld [tilespmem:s1+$0x70]  }
0x272: {  	v17 =	vmul.f32 v58, v55;
	v0 =	vadd.f32 v8, v0;
	v8 =	vmul.f32 v13, v11;
	v11 =	vld [tilespmem:s3+$0xFFFFFF70]  }
0x273: {  	s2 =	simm.s32 $0x4300;
	v6 =	vadd.f32 v5, v6;
	v5 =	vadd.f32 v10, v4;
	v10 =	vmul.f32 v12, v63;
	v12 =	vld [tilespmem:s3+$0xFFFFFFF0]  }
0x274: {  	s16 =	simm.s32 $0x0;
	[tilespmem:s2+$0x80] =	vst v3;
	v13 =	vld [tilespmem:s3+$0x70];
	s3 =	simm.s32 $0x3D00;
	v14 =	vmul.f32 v15, v14;
	v15 =	vmul.f32 v16, v17;
	v8 =	vadd.f32 v8, v0  }
.LBB3_12:
0x275: {  	v0 =	vld [tilespmem:s3+$0xE0]  }
0x276: {  	v3 =	vld [tilespmem:s3+$0xD0];
	v4 =	vadd.f32 v15, v6;
	v6 =	vmul.f32 v9, v7  }
0x277: {  	v7 =	vld [tilespmem:s3+$0xC0];
	v9 =	vmul.f32 v11, v10  }
0x278: {  	v10 =	vld [tilespmem:s3+$0xB0];
	v11 =	vmul.f32 v12, v14  }
0x279: {  	v12 =	vld [tilespmem:s3+$0xA0];
	v5 =	vadd.f32 v9, v5;
	v6 =	vmul.f32 v13, v6  }
0x27a: {  	s0 =	sadd.s32 $0x200, s0;
	v9 =	vld [tilespmem:s3+$0x80];
	v8 =	vadd.f32 v11, v8  }
0x27b: {  	v11 =	vld [tilespmem:s0+$0xA0];
	[tilespmem:s2+$0xFFFFFF00] =	vst v5;
	v4 =	vadd.f32 v6, v4  }
0x27c: {  	s1 =	sadd.s32 $0x200, s1;
	v5 =	vld [tilespmem:s0+$0x80];
	[tilespmem:s2+$0xFFFFFF80] =	vst v8  }
0x27d: {  	v6 =	vld [tilespmem:s1+$0x80];
	[tilespmem:s2+$0x0] =	vst v4  }
0x27e: {  	v4 =	vld [tilespmem:s0+$0x90]  }
0x27f: {  	s16 =	sadd.s32 $0x4, s16;
	v8 =	vld [tilespmem:s1+$0x90]  }
0x280: {  	p0 =	slt.u32 s16, $0xC;
	v13 =	vld [tilespmem:s1+$0xA0]  }
0x281: {  	v14 =	vld [tilespmem:s3+$0x90]  }
0x282: {  	v15 =	vld [tilespmem:s0+$0xB0]  }
0x283: {  	v16 =	vld [tilespmem:s1+$0xB0]  }
0x284: {  	v5 =	vmul.f32 v6, v5;
	v4 =	vmul.f32 v8, v4;
	v6 =	vld [tilespmem:s0+$0xC0]  }
0x285: {  	v8 =	vmul.f32 v13, v11;
	v11 =	vld [tilespmem:s1+$0xC0]  }
0x286: {  	v5 =	vmul.f32 v9, v5;
	v4 =	vmul.f32 v14, v4;
	v9 =	vld [tilespmem:s0+$0xD0]  }
0x287: {  	v13 =	vld [tilespmem:s1+$0xD0]  }
0x288: {  	v4 =	vadd.f32 v4, v5;
	v5 =	vmul.f32 v12, v8;
	v8 =	vmul.f32 v16, v15;
	v12 =	vld [tilespmem:s0+$0xE0]  }
0x289: {  	v14 =	vld [tilespmem:s1+$0xE0]  }
0x28a: {  	v4 =	vadd.f32 v5, v4;
	v5 =	vmul.f32 v10, v8;
	v6 =	vmul.f32 v11, v6;
	v8 =	vld [tilespmem:s0+$0xF0]  }
0x28b: {  	v10 =	vld [tilespmem:s1+$0xF0]  }
0x28c: {  	v11 =	vld [tilespmem:s1+$0xFFFFFF00];
	v4 =	vadd.f32 v5, v4;
	v5 =	vmul.f32 v7, v6;
	v6 =	vmul.f32 v13, v9  }
0x28d: {  	v7 =	vld [tilespmem:s3+$0xF0]  }
0x28e: {  	v9 =	vld [tilespmem:s0+$0xFFFFFF10];
	v4 =	vadd.f32 v5, v4;
	v3 =	vmul.f32 v3, v6;
	v5 =	vmul.f32 v14, v12  }
0x28f: {  	v6 =	vld [tilespmem:s1+$0xFFFFFF10]  }
0x290: {  	v12 =	vld [tilespmem:s0+$0xFFFFFF80];
	v3 =	vadd.f32 v3, v4;
	v0 =	vmul.f32 v0, v5;
	v4 =	vmul.f32 v10, v8  }
0x291: {  	v5 =	vld [tilespmem:s1+$0xFFFFFF80]  }
0x292: {  	v8 =	vld [tilespmem:s0+$0xFFFFFF90];
	v0 =	vadd.f32 v0, v3;
	v3 =	vmul.f32 v7, v4  }
0x293: {  	v7 =	vld [tilespmem:s1+$0xFFFFFF90]  }
0x294: {  	v6 =	vmul.f32 v6, v9;
	v9 =	vld [tilespmem:s0+$0x0];
	v0 =	vadd.f32 v3, v0  }
0x295: {  	s2 =	sadd.s32 $0x200, s2;
	v10 =	vld [tilespmem:s1+$0x0]  }
0x296: {  	p1 =	por $0x1, $0x1;
	v4 =	vimm.s32 $0x0;
	v3 =	vimm.f32 $0.0e+00;
	v5 =	vmul.f32 v5, v12;
	v12 =	vld [tilespmem:s0+$0x10];
	[tilespmem:s2+$0x80] =	vst v0  }
0x297: {  	v0 =	vld [tilespmem:s1+$0x10]  }
0x298: {  	v13 =	vld [tilespmem:s0+$0xFFFFFF00];
	v7 =	vmul.f32 v7, v8  }
0x299: {  	v8 =	vld [tilespmem:s3+$0xFFFFFF00]  }
0x29a: {  	v14 =	vld [tilespmem:s3+$0xFFFFFF10];
	v9 =	vmul.f32 v10, v9  }
0x29b: {  	v10 =	vld [tilespmem:s0+$0xFFFFFF20]  }
0x29c: {  	v15 =	vld [tilespmem:s1+$0xFFFFFF20];
	v0 =	vmul.f32 v0, v12  }
0x29d: {  	v11 =	vmul.f32 v11, v13;
	v12 =	vld [tilespmem:s3+$0xFFFFFF80]  }
0x29e: {  	v13 =	vld [tilespmem:s3+$0xFFFFFF90]  }
0x29f: {  	v8 =	vmul.f32 v8, v11;
	v6 =	vmul.f32 v14, v6;
	v11 =	vld [tilespmem:s0+$0xFFFFFFA0]  }
0x2a0: {  	v14 =	vld [tilespmem:s1+$0xFFFFFFA0]  }
0x2a1: {  	v6 =	vadd.f32 v6, v8;
	v8 =	vmul.f32 v15, v10;
	v10 =	vld [tilespmem:s3+$0x0]  }
0x2a2: {  	v5 =	vmul.f32 v12, v5;
	v12 =	vld [tilespmem:s3+$0x10]  }
0x2a3: {  	v7 =	vmul.f32 v13, v7;
	v13 =	vld [tilespmem:s0+$0x20]  }
0x2a4: {  	v15 =	vld [tilespmem:s1+$0x20]  }
0x2a5: {  	v16 =	vld [tilespmem:s3+$0xFFFFFF20];
	v5 =	vadd.f32 v7, v5;
	v7 =	vmul.f32 v14, v11  }
0x2a6: {  	v11 =	vld [tilespmem:s0+$0xFFFFFF30];
	v9 =	vmul.f32 v10, v9  }
0x2a7: {  	v10 =	vld [tilespmem:s1+$0xFFFFFF30];
	v0 =	vmul.f32 v12, v0  }
0x2a8: {  	v12 =	vld [tilespmem:s3+$0xFFFFFFA0]  }
0x2a9: {  	v14 =	vld [tilespmem:s0+$0xFFFFFFB0];
	v0 =	vadd.f32 v0, v9;
	v9 =	vmul.f32 v15, v13  }
0x2aa: {  	v8 =	vmul.f32 v16, v8;
	v13 =	vld [tilespmem:s1+$0xFFFFFFB0]  }
0x2ab: {  	v15 =	vld [tilespmem:s3+$0x20]  }
0x2ac: {  	v6 =	vadd.f32 v8, v6;
	v8 =	vmul.f32 v10, v11;
	v10 =	vld [tilespmem:s0+$0x30]  }
0x2ad: {  	v7 =	vmul.f32 v12, v7;
	v11 =	vld [tilespmem:s1+$0x30]  }
0x2ae: {  	v12 =	vld [tilespmem:s3+$0xFFFFFF30]  }
0x2af: {  	v16 =	vld [tilespmem:s0+$0xFFFFFF40];
	v5 =	vadd.f32 v7, v5;
	v7 =	vmul.f32 v13, v14  }
0x2b0: {  	v13 =	vld [tilespmem:s1+$0xFFFFFF40];
	v9 =	vmul.f32 v15, v9  }
0x2b1: {  	v14 =	vld [tilespmem:s3+$0xFFFFFFB0]  }
0x2b2: {  	v15 =	vld [tilespmem:s0+$0xFFFFFFC0];
	v0 =	vadd.f32 v9, v0;
	v9 =	vmul.f32 v11, v10  }
0x2b3: {  	v8 =	vmul.f32 v12, v8;
	v10 =	vld [tilespmem:s1+$0xFFFFFFC0]  }
0x2b4: {  	v11 =	vld [tilespmem:s3+$0x30]  }
0x2b5: {  	v6 =	vadd.f32 v8, v6;
	v8 =	vmul.f32 v13, v16;
	v12 =	vld [tilespmem:s0+$0x40]  }
0x2b6: {  	v7 =	vmul.f32 v14, v7;
	v13 =	vld [tilespmem:s1+$0x40]  }
0x2b7: {  	v14 =	vld [tilespmem:s3+$0xFFFFFF40]  }
0x2b8: {  	v16 =	vld [tilespmem:s0+$0xFFFFFF50];
	v5 =	vadd.f32 v7, v5;
	v7 =	vmul.f32 v10, v15  }
0x2b9: {  	v10 =	vld [tilespmem:s1+$0xFFFFFF50];
	v9 =	vmul.f32 v11, v9  }
0x2ba: {  	v11 =	vld [tilespmem:s3+$0xFFFFFFC0]  }
0x2bb: {  	v15 =	vld [tilespmem:s0+$0xFFFFFFD0];
	v0 =	vadd.f32 v9, v0;
	v9 =	vmul.f32 v13, v12  }
0x2bc: {  	v8 =	vmul.f32 v14, v8;
	v12 =	vld [tilespmem:s1+$0xFFFFFFD0]  }
0x2bd: {  	v13 =	vld [tilespmem:s3+$0x40]  }
0x2be: {  	v6 =	vadd.f32 v8, v6;
	v8 =	vmul.f32 v10, v16;
	v10 =	vld [tilespmem:s0+$0x50]  }
0x2bf: {  	v7 =	vmul.f32 v11, v7;
	v11 =	vld [tilespmem:s1+$0x50]  }
0x2c0: {  	v14 =	vld [tilespmem:s3+$0xFFFFFF50]  }
0x2c1: {  	v16 =	vld [tilespmem:s0+$0xFFFFFF60];
	v5 =	vadd.f32 v7, v5;
	v7 =	vmul.f32 v12, v15  }
0x2c2: {  	v12 =	vld [tilespmem:s1+$0xFFFFFF60];
	v9 =	vmul.f32 v13, v9  }
0x2c3: {  	v13 =	vld [tilespmem:s3+$0xFFFFFFD0]  }
0x2c4: {  	v15 =	vld [tilespmem:s0+$0xFFFFFFE0];
	v0 =	vadd.f32 v9, v0;
	v9 =	vmul.f32 v11, v10  }
0x2c5: {  	v8 =	vmul.f32 v14, v8;
	v10 =	vld [tilespmem:s1+$0xFFFFFFE0]  }
0x2c6: {  	v11 =	vld [tilespmem:s3+$0x50]  }
0x2c7: {  	v8 =	vadd.f32 v8, v6;
	v12 =	vmul.f32 v12, v16;
	v14 =	vld [tilespmem:s0+$0x60]  }
0x2c8: {  	v6 =	vmul.f32 v13, v7;
	v7 =	vld [tilespmem:s1+$0x60]  }
0x2c9: {  	v13 =	vld [tilespmem:s3+$0xFFFFFF60]  }
0x2ca: {  	v16 =	vld [tilespmem:s0+$0xFFFFFF70];
	v17 =	vadd.f32 v6, v5;
	v15 =	vmul.f32 v10, v15  }
0x2cb: {  	v10 =	vld [tilespmem:s1+$0xFFFFFF70];
	v5 =	vmul.f32 v11, v9  }
0x2cc: {  	v9 =	vld [tilespmem:s3+$0xFFFFFFE0]  }
0x2cd: {  	v18 =	vld [tilespmem:s0+$0xFFFFFFF0];
	v6 =	vadd.f32 v5, v0;
	v0 =	vmul.f32 v7, v14  }
0x2ce: {  	v5 =	vmul.f32 v13, v12;
	v12 =	vld [tilespmem:s1+$0xFFFFFFF0]  }
0x2cf: {  	v13 =	vld [tilespmem:s3+$0x60]  }
.Ltmp10:
0x2d0: {  	v5 =	vadd.f32 v5, v8;
	v10 =	vmul.f32 v10, v16;
	v7 =	vld [tilespmem:s0+$0x70];
	(pc) =	sbr.rel @p0 .LBB3_12-.Ltmp10, $4  }
0x2d1: {  	v8 =	vmul.f32 v9, v15;
	v9 =	vld [tilespmem:s1+$0x70]  }
0x2d2: {  	v11 =	vld [tilespmem:s3+$0xFFFFFF70]  }
0x2d3: {  	v8 =	vadd.f32 v8, v17;
	v14 =	vmul.f32 v12, v18;
	v12 =	vld [tilespmem:s3+$0xFFFFFFF0]  }
0x2d4: {  	v15 =	vmul.f32 v13, v0;
	v13 =	vld [tilespmem:s3+$0x70];
	s3 =	sadd.s32 $0x200, s3  }
0x2d5: {  	_ =	sdelay $0x1  }
0x2d6: {  	v0 =	vmul.f32 v9, v7;
	v7 =	vmul.f32 v11, v10  }
0x2d7: {  	v63 =	vmul.f32 v12, v14  }
0x2d8: {  	v6 =	vadd.f32 v15, v6;
	v5 =	vadd.f32 v7, v5;
	v0 =	vmul.f32 v13, v0  }
0x2d9: {  	v7 =	vadd.f32 v63, v8  }
0x2da: {  	[tilespmem:s2+$0xFFFFFF00] =	vst v5;
	v0 =	vadd.f32 v0, v6  }
0x2db: {  	[tilespmem:s2+$0xFFFFFF80] =	vst v7  }
0x2dc: {  	v5 =	vimm.f32 $0.0e+00;
	[tilespmem:s2+$0x0] =	vst v0  }
.LBB3_14:
0x2dd: {  	v0 =	vand.u32 $0xFFFFFFF8, v4  }
0x2de: {  	v0 =	vadd.s32 v2, v0  }
0x2df: {  	v6 =	vor.u32 $0x1, v0  }
0x2e0: {  	v7 =	vor.u32 $0x2, v0  }
0x2e1: {  	v8 =	vor.u32 $0x3, v0  }
0x2e2: {  	v9 =	vor.u32 $0x4, v0  }
0x2e3: {  	v11 =	vor.u32 $0x5, v0;
	v10 =	vld.idx.msk [tilespmem:v0+s14+$0x0], $0xffff  }
0x2e4: {  	v12 =	vor.u32 $0x6, v0;
	v0 =	vor.u32 $0x7, v0;
	v6 =	vld.idx.msk [tilespmem:v6+s14+$0x0], $0xffff  }
0x2e5: {  	v7 =	vld.idx.msk [tilespmem:v7+s14+$0x0], $0xffff  }
0x2e6: {  	v8 =	vld.idx.msk [tilespmem:v8+s14+$0x0], $0xffff  }
0x2e7: {  	v9 =	vld.idx.msk [tilespmem:v9+s14+$0x0], $0xffff  }
0x2e8: {  	v11 =	vld.idx.msk [tilespmem:v11+s14+$0x0], $0xffff  }
0x2e9: {  	v5 =	vadd.f32 v10, v5;
	v0 =	vld.idx.msk [tilespmem:v0+s14+$0x0], $0xffff;
	v3 =	vadd.f32 v6, v3  }
0x2ea: {  	p0 =	por p1, p1;
	v6 =	vld.idx.msk [tilespmem:v12+s14+$0x0], $0xffff  }
.Ltmp11:
0x2eb: {  	v5 =	vadd.f32 v7, v5;
	v3 =	vadd.f32 v8, v3;
	(pc) =	sbr.rel @p0 .LBB3_14-.Ltmp11, $3  }
0x2ec: {  	_ = 	snop  }
0x2ed: {  	v5 =	vadd.f32 v9, v5;
	v3 =	vadd.f32 v11, v3;
	_ =	sdelay $0x1  }
0x2ee: {  	v4 =	vadd.s32 $0x8, v4;
	p1 =	por $0x0, $0x0;
	v5 =	vadd.f32 v6, v5;
	v3 =	vadd.f32 v0, v3  }
0x2ef: {  	p0 =	sge.s32 s15, s19;
	s0 =	simm.s32 $0x1  }
0x2f0: {  	s1 =	simm.s32 $0x1;
	s0 =	simm.s32 @!p0 $0x0;
	p0 =	sge.s32 s15, s20  }
0x2f1: {  	s2 =	simm.s32 $0x1;
	s1 =	simm.s32 @!p0 $0x0;
	p0 =	sge.s32 s15, s31  }
0x2f2: {  	s0 =	sadd.s32 s1, s0;
	s2 =	simm.s32 @!p0 $0x0  }
0x2f3: {  	s0 =	sadd.s32 s2, s0  }
0x2f4: {  	s1 =	smov.u32 s21;
	p0 =	seq.s32 s0, $0x2  }
0x2f5: {  	p1 =	seq.s32 s0, $0x1;
	s1 =	smov.u32 @p0 s17  }
0x2f6: {  	p0 =	seq.s32 s0, $0x0;
	s1 =	smov.u32 @p1 s10  }
0x2f7: {  	s1 =	smov.u32 @p0 s18  }
0x2f8: {  	v0 =	vld [tilespmem:s15+$0xF80];
	s5 =	ssub.s32 s1, s15  }
0x2f9: {  	v14 =	vlaneseq.u32;
	v4 =	vmov s5  }
0x2fa: {  	vm0 =	vgt.s32 v4, v14;
	_ =	sdelay $0x1  }
.Ltmp12:
0x2fb: {  	_ = 	snop;
	(pc) =	sbr.rel .LBB3_16-.Ltmp12, $4  }
0x2fc: {  	_ = 	snop  }
0x2fd: {  	v3 =	vadd.f32 v3, v5  }
0x2fe: {  	s16 =	simm.s32 $0x4A00  }
0x2ff: {  	[tilespmem:v0+s16+$0x0] =	vst.idx.msk vm0, v3  }
.LBB3_18:
0x300: {  	_ =	sfence.sel $0x180000  }
0x301: {  	[bflag:$0x0] =	sbarrier.arrive $0xFFFF  }
0x302: {  	_ =	strace $0x90000047  }
0x303: {  	s0 =	stileid.u32;
	[bflag:$0x2] =	sbarrier.arrive $0xFFFF  }
0x304: {  	p0 =	sne.s32 s0, $0x0;
	s0 =	rddreg [dreg:$0xe]  }
0x305: {  	s0 =	sadd.s32 @!p0 $0x100000, s0  }
0x306: {  	[sflag:s0] =	ssyncadd.tile.s32 @!p0 $0x1;
	_ =	shalt  }
.Lfunc_end3:
_tile_overlayer_lowered:
.L_overlay_start_3:
0x307: {  	(tag) =	ssettag $0x3  }
0x308: {  	s0 =	rddreg [dreg:$0x0];
	s2 =	stileid.u32  }
0x309: {  	s1 =	rddreg [dreg:$0x1];
	p0 =	sne.s32 s2, $0x0  }
0x30a: {  	s3 =	rddreg [dreg:$0x2];
	[bflag:$0x3] =	sbarrier.arrive $0xFFFF;
	s2 =	simm.s32 @!p0 $0x1C07  }
0x30b: {  	[timem:s3], [sflag:s2] =	dma.local @!p0 [hbm:s0], s1  }
0x30c: {  	s0 =	simm.s32 @!p0 $0x7  }
0x30d: {  	_ =	swait.ge @!p0 [sflag:s0], s1  }
0x30e: {  	s1 =	ssub.s32 @!p0 $0x0, s1;
	[sflag:s0] =	ssyncset.done @!p0 $0x0  }
0x30f: {  	[sflag:s0] =	ssyncadd.s32 @!p0 s1  }
0x310: {  	[bflag:$0x3] =	sbarrier.arrive $0xFFFF  }
0x311: {  	_ =	shalt  }

</sc_bundles>
